<compile_context>
chip_gen: v7x
topology: tpu7x:2x2x1
jax: 0.10.2.dev20260603
libtpu: 0.0.44.dev20260713+nightly
codegen_flags: <defaults>
</compile_context>

<pallas_src>
import functools

import jax
import jax.numpy as jnp
from jax import lax
from jax.experimental import pallas as pl
from jax.experimental.pallas import tpu as pltpu
from jax.experimental.pallas import tpu_sc as plsc

N = 2048
HD = 64
NREL = 257
BQ = 16
QLEN = 2304
RPW = QLEN // 16

_SC_MESH = plsc.VectorSubcoreMesh(
    core_axis_name="c", subcore_axis_name="s", num_cores=2, num_subcores=16)


@functools.partial(
    pl.kernel,
    out_type=jax.ShapeDtypeStruct((2, QLEN, 128), jnp.float32),
    mesh=_SC_MESH,
    scratch_types=[
        pltpu.VMEM((RPW,), jnp.int32),
        pltpu.VMEM((RPW, 128), jnp.float32),
        pltpu.SemaphoreType.DMA,
    ],
)
def _gather_q_sc(tp0_hbm, tp1_hbm, q_hbm, idx_ref, buf_ref, gsem):
    sid = lax.axis_index("s")
    ph = lax.axis_index("c")
    base = sid * RPW
    for k in range(RPW // 16):
        n = lax.iota(jnp.int32, 16) + (base + k * 16)
        idx_ref[pl.ds(k * 16, 16)] = jnp.clip(n - 1023, 0, 129)

    @pl.when(ph == 0)
    def _even():
        c0 = pltpu.async_copy(
            tp0_hbm.at[idx_ref.at[pl.ds(0, 128)]],
            buf_ref.at[pl.ds(0, 128)], gsem)
        c1 = pltpu.async_copy(
            tp0_hbm.at[idx_ref.at[pl.ds(128, 16)]],
            buf_ref.at[pl.ds(128, 16)], gsem)
        c0.wait()
        c1.wait()

    @pl.when(ph == 1)
    def _odd():
        c0 = pltpu.async_copy(
            tp1_hbm.at[idx_ref.at[pl.ds(0, 128)]],
            buf_ref.at[pl.ds(0, 128)], gsem)
        c1 = pltpu.async_copy(
            tp1_hbm.at[idx_ref.at[pl.ds(128, 16)]],
            buf_ref.at[pl.ds(128, 16)], gsem)
        c0.wait()
        c1.wait()

    pltpu.sync_copy(buf_ref, q_hbm.at[ph, pl.ds(base, RPW)])


def _expand_body(delta_ref, q_ref, out_ref):
    d = delta_ref[0]
    base = pl.program_id(0) * BQ
    for r in range(BQ):
        s = 2176 + d - (base + r)
        ph = lax.rem(s, 2)
        r0 = lax.div(s - ph, 2)
        out_ref[r, :, :] = q_ref[ph, pl.ds(r0, 1024), :]


def kernel(len_q, len_k, embedding_table):
    delta = (jnp.asarray(len_k, jnp.int32)
             - jnp.asarray(len_q, jnp.int32)).reshape(1)
    t = embedding_table
    c00 = jnp.concatenate([t[0], t[0]]).reshape(1, 128)
    c22 = jnp.concatenate([t[NREL - 1], t[NREL - 1]]).reshape(1, 128)
    tp0 = jnp.concatenate([c00, t[0:256].reshape(128, 128), c22])
    tp1 = jnp.concatenate([c00, t[1:257].reshape(128, 128), c22])
    q = _gather_q_sc(tp0, tp1)
    out = pl.pallas_call(
        _expand_body,
        grid=(N // BQ,),
        in_specs=[
            pl.BlockSpec(memory_space=pltpu.SMEM),
            pl.BlockSpec((2, QLEN, 128), lambda i: (0, 0, 0)),
        ],
        out_specs=pl.BlockSpec((BQ, 1024, 128), lambda i: (i, 0, 0)),
        out_shape=jax.ShapeDtypeStruct((N, 1024, 128), jnp.float32),
    )(delta, q)
    return out.reshape(N, N, HD)

# --- scband reference (transcript-rebuilt; emitter-appended) ---
"""Pipeline reference for scband-relative-position-37349035606581 (READ-ONLY COPY).

The authoritative reference and input builder live on the scoring server;
editing this copy changes nothing except your own understanding.
"""

import jax, jax.numpy as jnp
import numpy as np

MAX_REL = 128
HEAD_DIM = 64

def setup_inputs(seed: int = 0) -> dict:
    key = jax.random.key(seed)
    embedding_table = jax.random.normal(key, (MAX_REL * 2 + 1, HEAD_DIM), dtype=jnp.float32)
    return {"len_q": 2048, "len_k": 2048, "embedding_table": embedding_table}

def reference(len_q, len_k, embedding_table):
    # faithful translation of RelativePosition.forward
    q_pos = jnp.arange(2048) + (len_q - 2048)
    k_pos = jnp.arange(2048) + (len_k - 2048)
    rel_2d = k_pos[None, :] - q_pos[:, None]
    clamped = jnp.clip(rel_2d, -MAX_REL, MAX_REL)
    idx = (clamped + MAX_REL).astype(jnp.int32)
    # embedding lookup -> gather
    rel_pos_emb = jnp.take(embedding_table, idx, axis=0)
    return rel_pos_emb

if __name__ == "__main__":
    import jax
    _d = setup_inputs()
    print(jax.jit(kernel)(*tuple(_d.values())))

</pallas_src>

<mosaic_0001>
#map = affine_map<(d0, d1) -> (0, 0)>
#map1 = affine_map<(d0, d1) -> (0, 0, 0)>
module attributes {stable_mosaic.version = 14 : i64} {
  func.func @_gather_q_sc(%arg0: i32, %arg1: i32, %arg2: memref<130x128xf32, #tpu.memory_space<hbm>>, %arg3: memref<130x128xf32, #tpu.memory_space<hbm>>, %arg4: memref<2x2304x128xf32, #tpu.memory_space<hbm>>, %arg5: memref<144xi32, #tpu.memory_space<vmem>>, %arg6: memref<144x128xf32, #tpu.memory_space<vmem>>, %arg7: memref<!tpu.dma_semaphore, #tpu.memory_space<semaphore_mem>>) attributes {dimension_semantics = [#tpu.dimension_semantics<core_parallel>, #tpu.dimension_semantics<subcore_parallel>], iteration_bounds = array<i64: 2, 16>, scalar_prefetch = 0 : i64, scratch_operands = 3 : i64, tpu.core_type = #tpu.core_type<sc_vector_subcore>, window_params = [{transform_indices = #map}, {transform_indices = #map}, {transform_indices = #map1}]} {
    %mul3A = arith.constant 144 : i32
    %mul3A_0 = arith.muli %arg1, %mul3A : i32
    %iota3A = tpu.iota {dimensions = array<i32: 0>} : vector<16xi32>
    %add3A = arith.constant 0 : i32
    %add3A_1 = arith.addi %mul3A_0, %add3A : i32
    %add3A_2 = vector.broadcast %add3A_1 : i32 to vector<16xi32>
    %add3A_3 = arith.addi %iota3A, %add3A_2 : vector<16xi32>
    %sub3A = arith.constant 1023 : i32
    %sub3A_4 = vector.broadcast %sub3A : i32 to vector<16xi32>
    %sub3A_5 = arith.subi %add3A_3, %sub3A_4 : vector<16xi32>
    %jit3A = arith.constant 0 : i32
    %jit3A_6 = arith.constant 129 : i32
    %max3A = vector.broadcast %jit3A : i32 to vector<16xi32>
    %max3A_7 = arith.maxsi %max3A, %sub3A_5 : vector<16xi32>
    %min3A = vector.broadcast %jit3A_6 : i32 to vector<16xi32>
    %min3A_8 = arith.minsi %min3A, %max3A_7 : vector<16xi32>
    %swap3A = arith.constant 0 : index
    %swap3A_9 = tpu.vector_load %arg5[%swap3A] {strides = array<i32>} : memref<144xi32, #tpu.memory_space<vmem>>, vector<16xi32>,
    %swap3A_10 = vector.shape_cast %swap3A_9 : vector<16xi32> to vector<16xi32>
    %swap3A_11 = vector.shape_cast %min3A_8 : vector<16xi32> to vector<16xi32>
    tpu.vector_store %arg5[%swap3A], %swap3A_11 {strides = array<i32>} : memref<144xi32, #tpu.memory_space<vmem>>, vector<16xi32>,
    %iota3A_12 = tpu.iota {dimensions = array<i32: 0>} : vector<16xi32>
    %add3A_13 = arith.constant 16 : i32
    %add3A_14 = arith.addi %mul3A_0, %add3A_13 : i32
    %add3A_15 = vector.broadcast %add3A_14 : i32 to vector<16xi32>
    %add3A_16 = arith.addi %iota3A_12, %add3A_15 : vector<16xi32>
    %sub3A_17 = arith.constant 1023 : i32
    %sub3A_18 = vector.broadcast %sub3A_17 : i32 to vector<16xi32>
    %sub3A_19 = arith.subi %add3A_16, %sub3A_18 : vector<16xi32>
    %jit3A_20 = arith.constant 0 : i32
    %jit3A_21 = arith.constant 129 : i32
    %max3A_22 = vector.broadcast %jit3A_20 : i32 to vector<16xi32>
    %max3A_23 = arith.maxsi %max3A_22, %sub3A_19 : vector<16xi32>
    %min3A_24 = vector.broadcast %jit3A_21 : i32 to vector<16xi32>
    %min3A_25 = arith.minsi %min3A_24, %max3A_23 : vector<16xi32>
    %swap3A_26 = arith.constant 16 : index
    %swap3A_27 = tpu.vector_load %arg5[%swap3A_26] {strides = array<i32>} : memref<144xi32, #tpu.memory_space<vmem>>, vector<16xi32>,
    %swap3A_28 = vector.shape_cast %swap3A_27 : vector<16xi32> to vector<16xi32>
    %swap3A_29 = vector.shape_cast %min3A_25 : vector<16xi32> to vector<16xi32>
    tpu.vector_store %arg5[%swap3A_26], %swap3A_29 {strides = array<i32>} : memref<144xi32, #tpu.memory_space<vmem>>, vector<16xi32>,
    %iota3A_30 = tpu.iota {dimensions = array<i32: 0>} : vector<16xi32>
    %add3A_31 = arith.constant 32 : i32
    %add3A_32 = arith.addi %mul3A_0, %add3A_31 : i32
    %add3A_33 = vector.broadcast %add3A_32 : i32 to vector<16xi32>
    %add3A_34 = arith.addi %iota3A_30, %add3A_33 : vector<16xi32>
    %sub3A_35 = arith.constant 1023 : i32
    %sub3A_36 = vector.broadcast %sub3A_35 : i32 to vector<16xi32>
    %sub3A_37 = arith.subi %add3A_34, %sub3A_36 : vector<16xi32>
    %jit3A_38 = arith.constant 0 : i32
    %jit3A_39 = arith.constant 129 : i32
    %max3A_40 = vector.broadcast %jit3A_38 : i32 to vector<16xi32>
    %max3A_41 = arith.maxsi %max3A_40, %sub3A_37 : vector<16xi32>
    %min3A_42 = vector.broadcast %jit3A_39 : i32 to vector<16xi32>
    %min3A_43 = arith.minsi %min3A_42, %max3A_41 : vector<16xi32>
    %swap3A_44 = arith.constant 32 : index
    %swap3A_45 = tpu.vector_load %arg5[%swap3A_44] {strides = array<i32>} : memref<144xi32, #tpu.memory_space<vmem>>, vector<16xi32>,
    %swap3A_46 = vector.shape_cast %swap3A_45 : vector<16xi32> to vector<16xi32>
    %swap3A_47 = vector.shape_cast %min3A_43 : vector<16xi32> to vector<16xi32>
    tpu.vector_store %arg5[%swap3A_44], %swap3A_47 {strides = array<i32>} : memref<144xi32, #tpu.memory_space<vmem>>, vector<16xi32>,
    %iota3A_48 = tpu.iota {dimensions = array<i32: 0>} : vector<16xi32>
    %add3A_49 = arith.constant 48 : i32
    %add3A_50 = arith.addi %mul3A_0, %add3A_49 : i32
    %add3A_51 = vector.broadcast %add3A_50 : i32 to vector<16xi32>
    %add3A_52 = arith.addi %iota3A_48, %add3A_51 : vector<16xi32>
    %sub3A_53 = arith.constant 1023 : i32
    %sub3A_54 = vector.broadcast %sub3A_53 : i32 to vector<16xi32>
    %sub3A_55 = arith.subi %add3A_52, %sub3A_54 : vector<16xi32>
    %jit3A_56 = arith.constant 0 : i32
    %jit3A_57 = arith.constant 129 : i32
    %max3A_58 = vector.broadcast %jit3A_56 : i32 to vector<16xi32>
    %max3A_59 = arith.maxsi %max3A_58, %sub3A_55 : vector<16xi32>
    %min3A_60 = vector.broadcast %jit3A_57 : i32 to vector<16xi32>
    %min3A_61 = arith.minsi %min3A_60, %max3A_59 : vector<16xi32>
    %swap3A_62 = arith.constant 48 : index
    %swap3A_63 = tpu.vector_load %arg5[%swap3A_62] {strides = array<i32>} : memref<144xi32, #tpu.memory_space<vmem>>, vector<16xi32>,
    %swap3A_64 = vector.shape_cast %swap3A_63 : vector<16xi32> to vector<16xi32>
    %swap3A_65 = vector.shape_cast %min3A_61 : vector<16xi32> to vector<16xi32>
    tpu.vector_store %arg5[%swap3A_62], %swap3A_65 {strides = array<i32>} : memref<144xi32, #tpu.memory_space<vmem>>, vector<16xi32>,
    %iota3A_66 = tpu.iota {dimensions = array<i32: 0>} : vector<16xi32>
    %add3A_67 = arith.constant 64 : i32
    %add3A_68 = arith.addi %mul3A_0, %add3A_67 : i32
    %add3A_69 = vector.broadcast %add3A_68 : i32 to vector<16xi32>
    %add3A_70 = arith.addi %iota3A_66, %add3A_69 : vector<16xi32>
    %sub3A_71 = arith.constant 1023 : i32
    %sub3A_72 = vector.broadcast %sub3A_71 : i32 to vector<16xi32>
    %sub3A_73 = arith.subi %add3A_70, %sub3A_72 : vector<16xi32>
    %jit3A_74 = arith.constant 0 : i32
    %jit3A_75 = arith.constant 129 : i32
    %max3A_76 = vector.broadcast %jit3A_74 : i32 to vector<16xi32>
    %max3A_77 = arith.maxsi %max3A_76, %sub3A_73 : vector<16xi32>
    %min3A_78 = vector.broadcast %jit3A_75 : i32 to vector<16xi32>
    %min3A_79 = arith.minsi %min3A_78, %max3A_77 : vector<16xi32>
    %swap3A_80 = arith.constant 64 : index
    %swap3A_81 = tpu.vector_load %arg5[%swap3A_80] {strides = array<i32>} : memref<144xi32, #tpu.memory_space<vmem>>, vector<16xi32>,
    %swap3A_82 = vector.shape_cast %swap3A_81 : vector<16xi32> to vector<16xi32>
    %swap3A_83 = vector.shape_cast %min3A_79 : vector<16xi32> to vector<16xi32>
    tpu.vector_store %arg5[%swap3A_80], %swap3A_83 {strides = array<i32>} : memref<144xi32, #tpu.memory_space<vmem>>, vector<16xi32>,
    %iota3A_84 = tpu.iota {dimensions = array<i32: 0>} : vector<16xi32>
    %add3A_85 = arith.constant 80 : i32
    %add3A_86 = arith.addi %mul3A_0, %add3A_85 : i32
    %add3A_87 = vector.broadcast %add3A_86 : i32 to vector<16xi32>
    %add3A_88 = arith.addi %iota3A_84, %add3A_87 : vector<16xi32>
    %sub3A_89 = arith.constant 1023 : i32
    %sub3A_90 = vector.broadcast %sub3A_89 : i32 to vector<16xi32>
    %sub3A_91 = arith.subi %add3A_88, %sub3A_90 : vector<16xi32>
    %jit3A_92 = arith.constant 0 : i32
    %jit3A_93 = arith.constant 129 : i32
    %max3A_94 = vector.broadcast %jit3A_92 : i32 to vector<16xi32>
    %max3A_95 = arith.maxsi %max3A_94, %sub3A_91 : vector<16xi32>
    %min3A_96 = vector.broadcast %jit3A_93 : i32 to vector<16xi32>
    %min3A_97 = arith.minsi %min3A_96, %max3A_95 : vector<16xi32>
    %swap3A_98 = arith.constant 80 : index
    %swap3A_99 = tpu.vector_load %arg5[%swap3A_98] {strides = array<i32>} : memref<144xi32, #tpu.memory_space<vmem>>, vector<16xi32>,
    %swap3A_100 = vector.shape_cast %swap3A_99 : vector<16xi32> to vector<16xi32>
    %swap3A_101 = vector.shape_cast %min3A_97 : vector<16xi32> to vector<16xi32>
    tpu.vector_store %arg5[%swap3A_98], %swap3A_101 {strides = array<i32>} : memref<144xi32, #tpu.memory_space<vmem>>, vector<16xi32>,
    %iota3A_102 = tpu.iota {dimensions = array<i32: 0>} : vector<16xi32>
    %add3A_103 = arith.constant 96 : i32
    %add3A_104 = arith.addi %mul3A_0, %add3A_103 : i32
    %add3A_105 = vector.broadcast %add3A_104 : i32 to vector<16xi32>
    %add3A_106 = arith.addi %iota3A_102, %add3A_105 : vector<16xi32>
    %sub3A_107 = arith.constant 1023 : i32
    %sub3A_108 = vector.broadcast %sub3A_107 : i32 to vector<16xi32>
    %sub3A_109 = arith.subi %add3A_106, %sub3A_108 : vector<16xi32>
    %jit3A_110 = arith.constant 0 : i32
    %jit3A_111 = arith.constant 129 : i32
    %max3A_112 = vector.broadcast %jit3A_110 : i32 to vector<16xi32>
    %max3A_113 = arith.maxsi %max3A_112, %sub3A_109 : vector<16xi32>
    %min3A_114 = vector.broadcast %jit3A_111 : i32 to vector<16xi32>
    %min3A_115 = arith.minsi %min3A_114, %max3A_113 : vector<16xi32>
    %swap3A_116 = arith.constant 96 : index
    %swap3A_117 = tpu.vector_load %arg5[%swap3A_116] {strides = array<i32>} : memref<144xi32, #tpu.memory_space<vmem>>, vector<16xi32>,
    %swap3A_118 = vector.shape_cast %swap3A_117 : vector<16xi32> to vector<16xi32>
    %swap3A_119 = vector.shape_cast %min3A_115 : vector<16xi32> to vector<16xi32>
    tpu.vector_store %arg5[%swap3A_116], %swap3A_119 {strides = array<i32>} : memref<144xi32, #tpu.memory_space<vmem>>, vector<16xi32>,
    %iota3A_120 = tpu.iota {dimensions = array<i32: 0>} : vector<16xi32>
    %add3A_121 = arith.constant 112 : i32
    %add3A_122 = arith.addi %mul3A_0, %add3A_121 : i32
    %add3A_123 = vector.broadcast %add3A_122 : i32 to vector<16xi32>
    %add3A_124 = arith.addi %iota3A_120, %add3A_123 : vector<16xi32>
    %sub3A_125 = arith.constant 1023 : i32
    %sub3A_126 = vector.broadcast %sub3A_125 : i32 to vector<16xi32>
    %sub3A_127 = arith.subi %add3A_124, %sub3A_126 : vector<16xi32>
    %jit3A_128 = arith.constant 0 : i32
    %jit3A_129 = arith.constant 129 : i32
    %max3A_130 = vector.broadcast %jit3A_128 : i32 to vector<16xi32>
    %max3A_131 = arith.maxsi %max3A_130, %sub3A_127 : vector<16xi32>
    %min3A_132 = vector.broadcast %jit3A_129 : i32 to vector<16xi32>
    %min3A_133 = arith.minsi %min3A_132, %max3A_131 : vector<16xi32>
    %swap3A_134 = arith.constant 112 : index
    %swap3A_135 = tpu.vector_load %arg5[%swap3A_134] {strides = array<i32>} : memref<144xi32, #tpu.memory_space<vmem>>, vector<16xi32>,
    %swap3A_136 = vector.shape_cast %swap3A_135 : vector<16xi32> to vector<16xi32>
    %swap3A_137 = vector.shape_cast %min3A_133 : vector<16xi32> to vector<16xi32>
    tpu.vector_store %arg5[%swap3A_134], %swap3A_137 {strides = array<i32>} : memref<144xi32, #tpu.memory_space<vmem>>, vector<16xi32>,
    %iota3A_138 = tpu.iota {dimensions = array<i32: 0>} : vector<16xi32>
    %add3A_139 = arith.constant 128 : i32
    %add3A_140 = arith.addi %mul3A_0, %add3A_139 : i32
    %add3A_141 = vector.broadcast %add3A_140 : i32 to vector<16xi32>
    %add3A_142 = arith.addi %iota3A_138, %add3A_141 : vector<16xi32>
    %sub3A_143 = arith.constant 1023 : i32
    %sub3A_144 = vector.broadcast %sub3A_143 : i32 to vector<16xi32>
    %sub3A_145 = arith.subi %add3A_142, %sub3A_144 : vector<16xi32>
    %jit3A_146 = arith.constant 0 : i32
    %jit3A_147 = arith.constant 129 : i32
    %max3A_148 = vector.broadcast %jit3A_146 : i32 to vector<16xi32>
    %max3A_149 = arith.maxsi %max3A_148, %sub3A_145 : vector<16xi32>
    %min3A_150 = vector.broadcast %jit3A_147 : i32 to vector<16xi32>
    %min3A_151 = arith.minsi %min3A_150, %max3A_149 : vector<16xi32>
    %swap3A_152 = arith.constant 128 : index
    %swap3A_153 = tpu.vector_load %arg5[%swap3A_152] {strides = array<i32>} : memref<144xi32, #tpu.memory_space<vmem>>, vector<16xi32>,
    %swap3A_154 = vector.shape_cast %swap3A_153 : vector<16xi32> to vector<16xi32>
    %swap3A_155 = vector.shape_cast %min3A_151 : vector<16xi32> to vector<16xi32>
    tpu.vector_store %arg5[%swap3A_152], %swap3A_155 {strides = array<i32>} : memref<144xi32, #tpu.memory_space<vmem>>, vector<16xi32>,
    %eq3A = arith.constant 0 : i32
    %eq3A_156 = arith.cmpi eq, %arg0, %eq3A : i32
    %convert_element_type3A = arith.extui %eq3A_156 : i1 to i32
    %cond3A = arith.constant 0 : i32
    %cond3A_157 = arith.cmpi ne, %convert_element_type3A, %cond3A : i32
    scf.if %cond3A_157 {
      %dma_start3A = arith.constant 0 : i32
      %dma_start3A_163 = arith.constant 0 : i32
      %dma_start3A_164 = tpu.memref_slice %arg6[%dma_start3A, %dma_start3A_163] : memref<144x128xf32, #tpu.memory_space<vmem>> -> memref<128x128xf32, #tpu.memory_space<vmem>>
      %dma_start3A_165 = arith.constant 0 : i32
      %dma_start3A_166 = tpu.memref_slice %arg5[%dma_start3A_165] : memref<144xi32, #tpu.memory_space<vmem>> -> memref<128xi32, #tpu.memory_space<vmem>>
      %dma_start3A_167 = arith.constant 0 : i32
      %dma_start3A_168 = arith.constant 0 : i32
      %dma_start3A_169 = tpu.memref_slice %arg2[%dma_start3A_167, %dma_start3A_168] : memref<130x128xf32, #tpu.memory_space<hbm>> -> memref<130x128xf32, #tpu.memory_space<hbm>>
      tpu.enqueue_indirect_dma source(%dma_start3A_169 : memref<130x128xf32, #tpu.memory_space<hbm>>) target(%dma_start3A_164 : memref<128x128xf32, #tpu.memory_space<vmem>>) offsets(%dma_start3A_166 : memref<128xi32, #tpu.memory_space<vmem>>) semaphore(%arg7 : memref<!tpu.dma_semaphore, #tpu.memory_space<semaphore_mem>>)
      %dma_start3A_170 = arith.constant 128 : i32
      %dma_start3A_171 = arith.constant 0 : i32
      %dma_start3A_172 = tpu.memref_slice %arg6[%dma_start3A_170, %dma_start3A_171] : memref<144x128xf32, #tpu.memory_space<vmem>> -> memref<16x128xf32, #tpu.memory_space<vmem>>
      %dma_start3A_173 = arith.constant 128 : i32
      %dma_start3A_174 = tpu.memref_slice %arg5[%dma_start3A_173] : memref<144xi32, #tpu.memory_space<vmem>> -> memref<16xi32, #tpu.memory_space<vmem>>
      %dma_start3A_175 = arith.constant 0 : i32
      %dma_start3A_176 = arith.constant 0 : i32
      %dma_start3A_177 = tpu.memref_slice %arg2[%dma_start3A_175, %dma_start3A_176] : memref<130x128xf32, #tpu.memory_space<hbm>> -> memref<130x128xf32, #tpu.memory_space<hbm>>
      tpu.enqueue_indirect_dma source(%dma_start3A_177 : memref<130x128xf32, #tpu.memory_space<hbm>>) target(%dma_start3A_172 : memref<16x128xf32, #tpu.memory_space<vmem>>) offsets(%dma_start3A_174 : memref<16xi32, #tpu.memory_space<vmem>>) semaphore(%arg7 : memref<!tpu.dma_semaphore, #tpu.memory_space<semaphore_mem>>)
      %dma_wait3A = arith.constant 0 : i32
      %dma_wait3A_178 = arith.constant 0 : i32
      %dma_wait3A_179 = tpu.memref_slice %arg6[%dma_wait3A, %dma_wait3A_178] : memref<144x128xf32, #tpu.memory_space<vmem>> -> memref<128x128xf32, #tpu.memory_space<vmem>>
      %dma_wait3A_180 = arith.constant 0 : i32
      %dma_wait3A_181 = tpu.memref_slice %arg5[%dma_wait3A_180] : memref<144xi32, #tpu.memory_space<vmem>> -> memref<128xi32, #tpu.memory_space<vmem>>
      %dma_wait3A_182 = arith.constant 0 : i32
      %dma_wait3A_183 = arith.constant 0 : i32
      %dma_wait3A_184 = tpu.memref_slice %arg2[%dma_wait3A_182, %dma_wait3A_183] : memref<130x128xf32, #tpu.memory_space<hbm>> -> memref<130x128xf32, #tpu.memory_space<hbm>>
      tpu.wait_indirect_dma semaphore(%arg7 : memref<!tpu.dma_semaphore, #tpu.memory_space<semaphore_mem>>) src(%dma_wait3A_184 : memref<130x128xf32, #tpu.memory_space<hbm>>) dst(%dma_wait3A_179 : memref<128x128xf32, #tpu.memory_space<vmem>>)
      %dma_wait3A_185 = arith.constant 128 : i32
      %dma_wait3A_186 = arith.constant 0 : i32
      %dma_wait3A_187 = tpu.memref_slice %arg6[%dma_wait3A_185, %dma_wait3A_186] : memref<144x128xf32, #tpu.memory_space<vmem>> -> memref<16x128xf32, #tpu.memory_space<vmem>>
      %dma_wait3A_188 = arith.constant 128 : i32
      %dma_wait3A_189 = tpu.memref_slice %arg5[%dma_wait3A_188] : memref<144xi32, #tpu.memory_space<vmem>> -> memref<16xi32, #tpu.memory_space<vmem>>
      %dma_wait3A_190 = arith.constant 0 : i32
      %dma_wait3A_191 = arith.constant 0 : i32
      %dma_wait3A_192 = tpu.memref_slice %arg2[%dma_wait3A_190, %dma_wait3A_191] : memref<130x128xf32, #tpu.memory_space<hbm>> -> memref<130x128xf32, #tpu.memory_space<hbm>>
      tpu.wait_indirect_dma semaphore(%arg7 : memref<!tpu.dma_semaphore, #tpu.memory_space<semaphore_mem>>) src(%dma_wait3A_192 : memref<130x128xf32, #tpu.memory_space<hbm>>) dst(%dma_wait3A_187 : memref<16x128xf32, #tpu.memory_space<vmem>>)
    } else {
    }
    %eq3A_158 = arith.constant 1 : i32
    %eq3A_159 = arith.cmpi eq, %arg0, %eq3A_158 : i32
    %convert_element_type3A_160 = arith.extui %eq3A_159 : i1 to i32
    %cond3A_161 = arith.constant 0 : i32
    %cond3A_162 = arith.cmpi ne, %convert_element_type3A_160, %cond3A_161 : i32
    scf.if %cond3A_162 {
      %dma_start3A = arith.constant 0 : i32
      %dma_start3A_163 = arith.constant 0 : i32
      %dma_start3A_164 = tpu.memref_slice %arg6[%dma_start3A, %dma_start3A_163] : memref<144x128xf32, #tpu.memory_space<vmem>> -> memref<128x128xf32, #tpu.memory_space<vmem>>
      %dma_start3A_165 = arith.constant 0 : i32
      %dma_start3A_166 = tpu.memref_slice %arg5[%dma_start3A_165] : memref<144xi32, #tpu.memory_space<vmem>> -> memref<128xi32, #tpu.memory_space<vmem>>
      %dma_start3A_167 = arith.constant 0 : i32
      %dma_start3A_168 = arith.constant 0 : i32
      %dma_start3A_169 = tpu.memref_slice %arg3[%dma_start3A_167, %dma_start3A_168] : memref<130x128xf32, #tpu.memory_space<hbm>> -> memref<130x128xf32, #tpu.memory_space<hbm>>
      tpu.enqueue_indirect_dma source(%dma_start3A_169 : memref<130x128xf32, #tpu.memory_space<hbm>>) target(%dma_start3A_164 : memref<128x128xf32, #tpu.memory_space<vmem>>) offsets(%dma_start3A_166 : memref<128xi32, #tpu.memory_space<vmem>>) semaphore(%arg7 : memref<!tpu.dma_semaphore, #tpu.memory_space<semaphore_mem>>)
      %dma_start3A_170 = arith.constant 128 : i32
      %dma_start3A_171 = arith.constant 0 : i32
      %dma_start3A_172 = tpu.memref_slice %arg6[%dma_start3A_170, %dma_start3A_171] : memref<144x128xf32, #tpu.memory_space<vmem>> -> memref<16x128xf32, #tpu.memory_space<vmem>>
      %dma_start3A_173 = arith.constant 128 : i32
      %dma_start3A_174 = tpu.memref_slice %arg5[%dma_start3A_173] : memref<144xi32, #tpu.memory_space<vmem>> -> memref<16xi32, #tpu.memory_space<vmem>>
      %dma_start3A_175 = arith.constant 0 : i32
      %dma_start3A_176 = arith.constant 0 : i32
      %dma_start3A_177 = tpu.memref_slice %arg3[%dma_start3A_175, %dma_start3A_176] : memref<130x128xf32, #tpu.memory_space<hbm>> -> memref<130x128xf32, #tpu.memory_space<hbm>>
      tpu.enqueue_indirect_dma source(%dma_start3A_177 : memref<130x128xf32, #tpu.memory_space<hbm>>) target(%dma_start3A_172 : memref<16x128xf32, #tpu.memory_space<vmem>>) offsets(%dma_start3A_174 : memref<16xi32, #tpu.memory_space<vmem>>) semaphore(%arg7 : memref<!tpu.dma_semaphore, #tpu.memory_space<semaphore_mem>>)
      %dma_wait3A = arith.constant 0 : i32
      %dma_wait3A_178 = arith.constant 0 : i32
      %dma_wait3A_179 = tpu.memref_slice %arg6[%dma_wait3A, %dma_wait3A_178] : memref<144x128xf32, #tpu.memory_space<vmem>> -> memref<128x128xf32, #tpu.memory_space<vmem>>
      %dma_wait3A_180 = arith.constant 0 : i32
      %dma_wait3A_181 = tpu.memref_slice %arg5[%dma_wait3A_180] : memref<144xi32, #tpu.memory_space<vmem>> -> memref<128xi32, #tpu.memory_space<vmem>>
      %dma_wait3A_182 = arith.constant 0 : i32
      %dma_wait3A_183 = arith.constant 0 : i32
      %dma_wait3A_184 = tpu.memref_slice %arg3[%dma_wait3A_182, %dma_wait3A_183] : memref<130x128xf32, #tpu.memory_space<hbm>> -> memref<130x128xf32, #tpu.memory_space<hbm>>
      tpu.wait_indirect_dma semaphore(%arg7 : memref<!tpu.dma_semaphore, #tpu.memory_space<semaphore_mem>>) src(%dma_wait3A_184 : memref<130x128xf32, #tpu.memory_space<hbm>>) dst(%dma_wait3A_179 : memref<128x128xf32, #tpu.memory_space<vmem>>)
      %dma_wait3A_185 = arith.constant 128 : i32
      %dma_wait3A_186 = arith.constant 0 : i32
      %dma_wait3A_187 = tpu.memref_slice %arg6[%dma_wait3A_185, %dma_wait3A_186] : memref<144x128xf32, #tpu.memory_space<vmem>> -> memref<16x128xf32, #tpu.memory_space<vmem>>
      %dma_wait3A_188 = arith.constant 128 : i32
      %dma_wait3A_189 = tpu.memref_slice %arg5[%dma_wait3A_188] : memref<144xi32, #tpu.memory_space<vmem>> -> memref<16xi32, #tpu.memory_space<vmem>>
      %dma_wait3A_190 = arith.constant 0 : i32
      %dma_wait3A_191 = arith.constant 0 : i32
      %dma_wait3A_192 = tpu.memref_slice %arg3[%dma_wait3A_190, %dma_wait3A_191] : memref<130x128xf32, #tpu.memory_space<hbm>> -> memref<130x128xf32, #tpu.memory_space<hbm>>
      tpu.wait_indirect_dma semaphore(%arg7 : memref<!tpu.dma_semaphore, #tpu.memory_space<semaphore_mem>>) src(%dma_wait3A_192 : memref<130x128xf32, #tpu.memory_space<hbm>>) dst(%dma_wait3A_187 : memref<16x128xf32, #tpu.memory_space<vmem>>)
    } else {
    }
    "tpu.region"() ({
      %run_scoped3A = tpu.sem_alloc : memref<!tpu.dma_semaphore, #tpu.memory_space<semaphore_mem>>
      %dma_start3A = arith.constant 0 : i32
      %dma_start3A_163 = tpu.memref_slice %arg4[%arg0, %mul3A_0, %dma_start3A] : memref<2x2304x128xf32, #tpu.memory_space<hbm>> -> memref<1x144x128xf32, #tpu.memory_space<hbm>>
      %dma_start3A_164 = tpu.memref_squeeze %dma_start3A_163 : memref<1x144x128xf32, #tpu.memory_space<hbm>> -> memref<144x128xf32, #tpu.memory_space<hbm>>
      %dma_start3A_165 = arith.constant 0 : i32
      %dma_start3A_166 = tpu.memref_slice %arg4[%arg0, %mul3A_0, %dma_start3A_165] : memref<2x2304x128xf32, #tpu.memory_space<hbm>> -> memref<1x144x128xf32, #tpu.memory_space<hbm>>
      %dma_start3A_167 = tpu.memref_squeeze %dma_start3A_166 : memref<1x144x128xf32, #tpu.memory_space<hbm>> -> memref<144x128xf32, #tpu.memory_space<hbm>>
      tpu.enqueue_dma source(%arg6 : memref<144x128xf32, #tpu.memory_space<vmem>>) target(%dma_start3A_167 : memref<144x128xf32, #tpu.memory_space<hbm>>) target_semaphore(%run_scoped3A : memref<!tpu.dma_semaphore, #tpu.memory_space<semaphore_mem>>)
      %dma_wait3A = arith.constant 0 : i32
      %dma_wait3A_168 = tpu.memref_slice %arg4[%arg0, %mul3A_0, %dma_wait3A] : memref<2x2304x128xf32, #tpu.memory_space<hbm>> -> memref<1x144x128xf32, #tpu.memory_space<hbm>>
      %dma_wait3A_169 = tpu.memref_squeeze %dma_wait3A_168 : memref<1x144x128xf32, #tpu.memory_space<hbm>> -> memref<144x128xf32, #tpu.memory_space<hbm>>
      %dma_wait3A_170 = arith.constant 0 : i32
      %dma_wait3A_171 = tpu.memref_slice %arg4[%arg0, %mul3A_0, %dma_wait3A_170] : memref<2x2304x128xf32, #tpu.memory_space<hbm>> -> memref<1x144x128xf32, #tpu.memory_space<hbm>>
      %dma_wait3A_172 = tpu.memref_squeeze %dma_wait3A_171 : memref<1x144x128xf32, #tpu.memory_space<hbm>> -> memref<144x128xf32, #tpu.memory_space<hbm>>
      tpu.wait_dma2 semaphore(%run_scoped3A : memref<!tpu.dma_semaphore, #tpu.memory_space<semaphore_mem>>) src(%arg6 : memref<144x128xf32, #tpu.memory_space<vmem>>) dst(%dma_wait3A_172 : memref<144x128xf32, #tpu.memory_space<hbm>>)
      tpu.yield
    }) : () -> ()
    return
  }
}

module attributes {stable_mosaic.version = 14 : i64} {
  func.func @_expand_body(%arg0: i32, %arg1: memref<1xi32, #tpu.memory_space<smem>>, %arg2: memref<2x2304x128xf32, #tpu.memory_space<vmem>>, %arg3: memref<16x1024x128xf32, #tpu.memory_space<vmem>>) attributes {dimension_semantics = [#tpu.dimension_semantics<arbitrary>], iteration_bounds = array<i64: 128>, scalar_prefetch = 0 : i64, scratch_operands = 0 : i64, tpu.core_type = #tpu.core_type<tc>, window_params = [{transform_indices = @transform_0, window_bounds = array<i64: 1>}, {pipeline_mode = #tpu.pipeline_mode<synchronous>, transform_indices = @transform_1, window_bounds = array<i64: 2, 2304, 128>}, {transform_indices = @transform_2, window_bounds = array<i64: 16, 1024, 128>}]} {
    %get3A = arith.constant 0 : index
    %get3A_0 = memref.load %arg1[%get3A] : memref<1xi32, #tpu.memory_space<smem>>
    %mul3A = arith.constant 16 : i32
    %mul3A_1 = arith.muli %arg0, %mul3A : i32
    %add3A = arith.constant 2176 : i32
    %add3A_2 = arith.addi %add3A, %get3A_0 : i32
    %add3A_3 = arith.constant 0 : i32
    %add3A_4 = arith.addi %mul3A_1, %add3A_3 : i32
    %sub3A = arith.subi %add3A_2, %add3A_4 : i32
    %rem3A = arith.constant 2 : i32
    %rem3A_5 = arith.remsi %sub3A, %rem3A : i32
    %sub3A_6 = arith.subi %sub3A, %rem3A_5 : i32
    %div3A = arith.constant 2 : i32
    %div3A_7 = arith.divsi %sub3A_6, %div3A : i32
    %get3A_8 = arith.index_cast %rem3A_5 : i32 to index
    %get3A_9 = arith.index_cast %div3A_7 : i32 to index
    %get3A_10 = arith.constant 0 : index
    %get3A_11 = vector.load %arg2[%get3A_8, %get3A_9, %get3A_10] : memref<2x2304x128xf32, #tpu.memory_space<vmem>>, vector<1x1024x128xf32>
    %get3A_12 = vector.shape_cast %get3A_11 : vector<1x1024x128xf32> to vector<1024x128xf32>
    %swap3A = arith.constant 0 : index
    %swap3A_13 = arith.constant 0 : index
    %swap3A_14 = arith.constant 0 : index
    %swap3A_15 = vector.load %arg3[%swap3A, %swap3A_13, %swap3A_14] : memref<16x1024x128xf32, #tpu.memory_space<vmem>>, vector<1x1024x128xf32>
    %swap3A_16 = vector.shape_cast %swap3A_15 : vector<1x1024x128xf32> to vector<1024x128xf32>
    %swap3A_17 = vector.shape_cast %get3A_12 : vector<1024x128xf32> to vector<1x1024x128xf32>
    tpu.vector_store %arg3[%swap3A, %swap3A_13, %swap3A_14], %swap3A_17 {strides = array<i32>} : memref<16x1024x128xf32, #tpu.memory_space<vmem>>, vector<1x1024x128xf32>,
    %add3A_18 = arith.constant 2176 : i32
    %add3A_19 = arith.addi %add3A_18, %get3A_0 : i32
    %add3A_20 = arith.constant 1 : i32
    %add3A_21 = arith.addi %mul3A_1, %add3A_20 : i32
    %sub3A_22 = arith.subi %add3A_19, %add3A_21 : i32
    %rem3A_23 = arith.constant 2 : i32
    %rem3A_24 = arith.remsi %sub3A_22, %rem3A_23 : i32
    %sub3A_25 = arith.subi %sub3A_22, %rem3A_24 : i32
    %div3A_26 = arith.constant 2 : i32
    %div3A_27 = arith.divsi %sub3A_25, %div3A_26 : i32
    %get3A_28 = arith.index_cast %rem3A_24 : i32 to index
    %get3A_29 = arith.index_cast %div3A_27 : i32 to index
    %get3A_30 = arith.constant 0 : index
    %get3A_31 = vector.load %arg2[%get3A_28, %get3A_29, %get3A_30] : memref<2x2304x128xf32, #tpu.memory_space<vmem>>, vector<1x1024x128xf32>
    %get3A_32 = vector.shape_cast %get3A_31 : vector<1x1024x128xf32> to vector<1024x128xf32>
    %swap3A_33 = arith.constant 1 : index
    %swap3A_34 = arith.constant 0 : index
    %swap3A_35 = arith.constant 0 : index
    %swap3A_36 = vector.load %arg3[%swap3A_33, %swap3A_34, %swap3A_35] : memref<16x1024x128xf32, #tpu.memory_space<vmem>>, vector<1x1024x128xf32>
    %swap3A_37 = vector.shape_cast %swap3A_36 : vector<1x1024x128xf32> to vector<1024x128xf32>
    %swap3A_38 = vector.shape_cast %get3A_32 : vector<1024x128xf32> to vector<1x1024x128xf32>
    tpu.vector_store %arg3[%swap3A_33, %swap3A_34, %swap3A_35], %swap3A_38 {strides = array<i32>} : memref<16x1024x128xf32, #tpu.memory_space<vmem>>, vector<1x1024x128xf32>,
    %add3A_39 = arith.constant 2176 : i32
    %add3A_40 = arith.addi %add3A_39, %get3A_0 : i32
    %add3A_41 = arith.constant 2 : i32
    %add3A_42 = arith.addi %mul3A_1, %add3A_41 : i32
    %sub3A_43 = arith.subi %add3A_40, %add3A_42 : i32
    %rem3A_44 = arith.constant 2 : i32
    %rem3A_45 = arith.remsi %sub3A_43, %rem3A_44 : i32
    %sub3A_46 = arith.subi %sub3A_43, %rem3A_45 : i32
    %div3A_47 = arith.constant 2 : i32
    %div3A_48 = arith.divsi %sub3A_46, %div3A_47 : i32
    %get3A_49 = arith.index_cast %rem3A_45 : i32 to index
    %get3A_50 = arith.index_cast %div3A_48 : i32 to index
    %get3A_51 = arith.constant 0 : index
    %get3A_52 = vector.load %arg2[%get3A_49, %get3A_50, %get3A_51] : memref<2x2304x128xf32, #tpu.memory_space<vmem>>, vector<1x1024x128xf32>
    %get3A_53 = vector.shape_cast %get3A_52 : vector<1x1024x128xf32> to vector<1024x128xf32>
    %swap3A_54 = arith.constant 2 : index
    %swap3A_55 = arith.constant 0 : index
    %swap3A_56 = arith.constant 0 : index
    %swap3A_57 = vector.load %arg3[%swap3A_54, %swap3A_55, %swap3A_56] : memref<16x1024x128xf32, #tpu.memory_space<vmem>>, vector<1x1024x128xf32>
    %swap3A_58 = vector.shape_cast %swap3A_57 : vector<1x1024x128xf32> to vector<1024x128xf32>
    %swap3A_59 = vector.shape_cast %get3A_53 : vector<1024x128xf32> to vector<1x1024x128xf32>
    tpu.vector_store %arg3[%swap3A_54, %swap3A_55, %swap3A_56], %swap3A_59 {strides = array<i32>} : memref<16x1024x128xf32, #tpu.memory_space<vmem>>, vector<1x1024x128xf32>,
    %add3A_60 = arith.constant 2176 : i32
    %add3A_61 = arith.addi %add3A_60, %get3A_0 : i32
    %add3A_62 = arith.constant 3 : i32
    %add3A_63 = arith.addi %mul3A_1, %add3A_62 : i32
    %sub3A_64 = arith.subi %add3A_61, %add3A_63 : i32
    %rem3A_65 = arith.constant 2 : i32
    %rem3A_66 = arith.remsi %sub3A_64, %rem3A_65 : i32
    %sub3A_67 = arith.subi %sub3A_64, %rem3A_66 : i32
    %div3A_68 = arith.constant 2 : i32
    %div3A_69 = arith.divsi %sub3A_67, %div3A_68 : i32
    %get3A_70 = arith.index_cast %rem3A_66 : i32 to index
    %get3A_71 = arith.index_cast %div3A_69 : i32 to index
    %get3A_72 = arith.constant 0 : index
    %get3A_73 = vector.load %arg2[%get3A_70, %get3A_71, %get3A_72] : memref<2x2304x128xf32, #tpu.memory_space<vmem>>, vector<1x1024x128xf32>
    %get3A_74 = vector.shape_cast %get3A_73 : vector<1x1024x128xf32> to vector<1024x128xf32>
    %swap3A_75 = arith.constant 3 : index
    %swap3A_76 = arith.constant 0 : index
    %swap3A_77 = arith.constant 0 : index
    %swap3A_78 = vector.load %arg3[%swap3A_75, %swap3A_76, %swap3A_77] : memref<16x1024x128xf32, #tpu.memory_space<vmem>>, vector<1x1024x128xf32>
    %swap3A_79 = vector.shape_cast %swap3A_78 : vector<1x1024x128xf32> to vector<1024x128xf32>
    %swap3A_80 = vector.shape_cast %get3A_74 : vector<1024x128xf32> to vector<1x1024x128xf32>
    tpu.vector_store %arg3[%swap3A_75, %swap3A_76, %swap3A_77], %swap3A_80 {strides = array<i32>} : memref<16x1024x128xf32, #tpu.memory_space<vmem>>, vector<1x1024x128xf32>,
    %add3A_81 = arith.constant 2176 : i32
    %add3A_82 = arith.addi %add3A_81, %get3A_0 : i32
    %add3A_83 = arith.constant 4 : i32
    %add3A_84 = arith.addi %mul3A_1, %add3A_83 : i32
    %sub3A_85 = arith.subi %add3A_82, %add3A_84 : i32
    %rem3A_86 = arith.constant 2 : i32
    %rem3A_87 = arith.remsi %sub3A_85, %rem3A_86 : i32
    %sub3A_88 = arith.subi %sub3A_85, %rem3A_87 : i32
    %div3A_89 = arith.constant 2 : i32
    %div3A_90 = arith.divsi %sub3A_88, %div3A_89 : i32
    %get3A_91 = arith.index_cast %rem3A_87 : i32 to index
    %get3A_92 = arith.index_cast %div3A_90 : i32 to index
    %get3A_93 = arith.constant 0 : index
    %get3A_94 = vector.load %arg2[%get3A_91, %get3A_92, %get3A_93] : memref<2x2304x128xf32, #tpu.memory_space<vmem>>, vector<1x1024x128xf32>
    %get3A_95 = vector.shape_cast %get3A_94 : vector<1x1024x128xf32> to vector<1024x128xf32>
    %swap3A_96 = arith.constant 4 : index
    %swap3A_97 = arith.constant 0 : index
    %swap3A_98 = arith.constant 0 : index
    %swap3A_99 = vector.load %arg3[%swap3A_96, %swap3A_97, %swap3A_98] : memref<16x1024x128xf32, #tpu.memory_space<vmem>>, vector<1x1024x128xf32>
    %swap3A_100 = vector.shape_cast %swap3A_99 : vector<1x1024x128xf32> to vector<1024x128xf32>
    %swap3A_101 = vector.shape_cast %get3A_95 : vector<1024x128xf32> to vector<1x1024x128xf32>
    tpu.vector_store %arg3[%swap3A_96, %swap3A_97, %swap3A_98], %swap3A_101 {strides = array<i32>} : memref<16x1024x128xf32, #tpu.memory_space<vmem>>, vector<1x1024x128xf32>,
    %add3A_102 = arith.constant 2176 : i32
    %add3A_103 = arith.addi %add3A_102, %get3A_0 : i32
    %add3A_104 = arith.constant 5 : i32
    %add3A_105 = arith.addi %mul3A_1, %add3A_104 : i32
    %sub3A_106 = arith.subi %add3A_103, %add3A_105 : i32
    %rem3A_107 = arith.constant 2 : i32
    %rem3A_108 = arith.remsi %sub3A_106, %rem3A_107 : i32
    %sub3A_109 = arith.subi %sub3A_106, %rem3A_108 : i32
    %div3A_110 = arith.constant 2 : i32
    %div3A_111 = arith.divsi %sub3A_109, %div3A_110 : i32
    %get3A_112 = arith.index_cast %rem3A_108 : i32 to index
    %get3A_113 = arith.index_cast %div3A_111 : i32 to index
    %get3A_114 = arith.constant 0 : index
    %get3A_115 = vector.load %arg2[%get3A_112, %get3A_113, %get3A_114] : memref<2x2304x128xf32, #tpu.memory_space<vmem>>, vector<1x1024x128xf32>
    %get3A_116 = vector.shape_cast %get3A_115 : vector<1x1024x128xf32> to vector<1024x128xf32>
    %swap3A_117 = arith.constant 5 : index
    %swap3A_118 = arith.constant 0 : index
    %swap3A_119 = arith.constant 0 : index
    %swap3A_120 = vector.load %arg3[%swap3A_117, %swap3A_118, %swap3A_119] : memref<16x1024x128xf32, #tpu.memory_space<vmem>>, vector<1x1024x128xf32>
    %swap3A_121 = vector.shape_cast %swap3A_120 : vector<1x1024x128xf32> to vector<1024x128xf32>
    %swap3A_122 = vector.shape_cast %get3A_116 : vector<1024x128xf32> to vector<1x1024x128xf32>
    tpu.vector_store %arg3[%swap3A_117, %swap3A_118, %swap3A_119], %swap3A_122 {strides = array<i32>} : memref<16x1024x128xf32, #tpu.memory_space<vmem>>, vector<1x1024x128xf32>,
    %add3A_123 = arith.constant 2176 : i32
    %add3A_124 = arith.addi %add3A_123, %get3A_0 : i32
    %add3A_125 = arith.constant 6 : i32
    %add3A_126 = arith.addi %mul3A_1, %add3A_125 : i32
    %sub3A_127 = arith.subi %add3A_124, %add3A_126 : i32
    %rem3A_128 = arith.constant 2 : i32
    %rem3A_129 = arith.remsi %sub3A_127, %rem3A_128 : i32
    %sub3A_130 = arith.subi %sub3A_127, %rem3A_129 : i32
    %div3A_131 = arith.constant 2 : i32
    %div3A_132 = arith.divsi %sub3A_130, %div3A_131 : i32
    %get3A_133 = arith.index_cast %rem3A_129 : i32 to index
    %get3A_134 = arith.index_cast %div3A_132 : i32 to index
    %get3A_135 = arith.constant 0 : index
    %get3A_136 = vector.load %arg2[%get3A_133, %get3A_134, %get3A_135] : memref<2x2304x128xf32, #tpu.memory_space<vmem>>, vector<1x1024x128xf32>
    %get3A_137 = vector.shape_cast %get3A_136 : vector<1x1024x128xf32> to vector<1024x128xf32>
    %swap3A_138 = arith.constant 6 : index
    %swap3A_139 = arith.constant 0 : index
    %swap3A_140 = arith.constant 0 : index
    %swap3A_141 = vector.load %arg3[%swap3A_138, %swap3A_139, %swap3A_140] : memref<16x1024x128xf32, #tpu.memory_space<vmem>>, vector<1x1024x128xf32>
    %swap3A_142 = vector.shape_cast %swap3A_141 : vector<1x1024x128xf32> to vector<1024x128xf32>
    %swap3A_143 = vector.shape_cast %get3A_137 : vector<1024x128xf32> to vector<1x1024x128xf32>
    tpu.vector_store %arg3[%swap3A_138, %swap3A_139, %swap3A_140], %swap3A_143 {strides = array<i32>} : memref<16x1024x128xf32, #tpu.memory_space<vmem>>, vector<1x1024x128xf32>,
    %add3A_144 = arith.constant 2176 : i32
    %add3A_145 = arith.addi %add3A_144, %get3A_0 : i32
    %add3A_146 = arith.constant 7 : i32
    %add3A_147 = arith.addi %mul3A_1, %add3A_146 : i32
    %sub3A_148 = arith.subi %add3A_145, %add3A_147 : i32
    %rem3A_149 = arith.constant 2 : i32
    %rem3A_150 = arith.remsi %sub3A_148, %rem3A_149 : i32
    %sub3A_151 = arith.subi %sub3A_148, %rem3A_150 : i32
    %div3A_152 = arith.constant 2 : i32
    %div3A_153 = arith.divsi %sub3A_151, %div3A_152 : i32
    %get3A_154 = arith.index_cast %rem3A_150 : i32 to index
    %get3A_155 = arith.index_cast %div3A_153 : i32 to index
    %get3A_156 = arith.constant 0 : index
    %get3A_157 = vector.load %arg2[%get3A_154, %get3A_155, %get3A_156] : memref<2x2304x128xf32, #tpu.memory_space<vmem>>, vector<1x1024x128xf32>
    %get3A_158 = vector.shape_cast %get3A_157 : vector<1x1024x128xf32> to vector<1024x128xf32>
    %swap3A_159 = arith.constant 7 : index
    %swap3A_160 = arith.constant 0 : index
    %swap3A_161 = arith.constant 0 : index
    %swap3A_162 = vector.load %arg3[%swap3A_159, %swap3A_160, %swap3A_161] : memref<16x1024x128xf32, #tpu.memory_space<vmem>>, vector<1x1024x128xf32>
    %swap3A_163 = vector.shape_cast %swap3A_162 : vector<1x1024x128xf32> to vector<1024x128xf32>
    %swap3A_164 = vector.shape_cast %get3A_158 : vector<1024x128xf32> to vector<1x1024x128xf32>
    tpu.vector_store %arg3[%swap3A_159, %swap3A_160, %swap3A_161], %swap3A_164 {strides = array<i32>} : memref<16x1024x128xf32, #tpu.memory_space<vmem>>, vector<1x1024x128xf32>,
    %add3A_165 = arith.constant 2176 : i32
    %add3A_166 = arith.addi %add3A_165, %get3A_0 : i32
    %add3A_167 = arith.constant 8 : i32
    %add3A_168 = arith.addi %mul3A_1, %add3A_167 : i32
    %sub3A_169 = arith.subi %add3A_166, %add3A_168 : i32
    %rem3A_170 = arith.constant 2 : i32
    %rem3A_171 = arith.remsi %sub3A_169, %rem3A_170 : i32
    %sub3A_172 = arith.subi %sub3A_169, %rem3A_171 : i32
    %div3A_173 = arith.constant 2 : i32
    %div3A_174 = arith.divsi %sub3A_172, %div3A_173 : i32
    %get3A_175 = arith.index_cast %rem3A_171 : i32 to index
    %get3A_176 = arith.index_cast %div3A_174 : i32 to index
    %get3A_177 = arith.constant 0 : index
    %get3A_178 = vector.load %arg2[%get3A_175, %get3A_176, %get3A_177] : memref<2x2304x128xf32, #tpu.memory_space<vmem>>, vector<1x1024x128xf32>
    %get3A_179 = vector.shape_cast %get3A_178 : vector<1x1024x128xf32> to vector<1024x128xf32>
    %swap3A_180 = arith.constant 8 : index
    %swap3A_181 = arith.constant 0 : index
    %swap3A_182 = arith.constant 0 : index
    %swap3A_183 = vector.load %arg3[%swap3A_180, %swap3A_181, %swap3A_182] : memref<16x1024x128xf32, #tpu.memory_space<vmem>>, vector<1x1024x128xf32>
    %swap3A_184 = vector.shape_cast %swap3A_183 : vector<1x1024x128xf32> to vector<1024x128xf32>
    %swap3A_185 = vector.shape_cast %get3A_179 : vector<1024x128xf32> to vector<1x1024x128xf32>
    tpu.vector_store %arg3[%swap3A_180, %swap3A_181, %swap3A_182], %swap3A_185 {strides = array<i32>} : memref<16x1024x128xf32, #tpu.memory_space<vmem>>, vector<1x1024x128xf32>,
    %add3A_186 = arith.constant 2176 : i32
    %add3A_187 = arith.addi %add3A_186, %get3A_0 : i32
    %add3A_188 = arith.constant 9 : i32
    %add3A_189 = arith.addi %mul3A_1, %add3A_188 : i32
    %sub3A_190 = arith.subi %add3A_187, %add3A_189 : i32
    %rem3A_191 = arith.constant 2 : i32
    %rem3A_192 = arith.remsi %sub3A_190, %rem3A_191 : i32
    %sub3A_193 = arith.subi %sub3A_190, %rem3A_192 : i32
    %div3A_194 = arith.constant 2 : i32
    %div3A_195 = arith.divsi %sub3A_193, %div3A_194 : i32
    %get3A_196 = arith.index_cast %rem3A_192 : i32 to index
    %get3A_197 = arith.index_cast %div3A_195 : i32 to index
    %get3A_198 = arith.constant 0 : index
    %get3A_199 = vector.load %arg2[%get3A_196, %get3A_197, %get3A_198] : memref<2x2304x128xf32, #tpu.memory_space<vmem>>, vector<1x1024x128xf32>
    %get3A_200 = vector.shape_cast %get3A_199 : vector<1x1024x128xf32> to vector<1024x128xf32>
    %swap3A_201 = arith.constant 9 : index
    %swap3A_202 = arith.constant 0 : index
    %swap3A_203 = arith.constant 0 : index
    %swap3A_204 = vector.load %arg3[%swap3A_201, %swap3A_202, %swap3A_203] : memref<16x1024x128xf32, #tpu.memory_space<vmem>>, vector<1x1024x128xf32>
    %swap3A_205 = vector.shape_cast %swap3A_204 : vector<1x1024x128xf32> to vector<1024x128xf32>
    %swap3A_206 = vector.shape_cast %get3A_200 : vector<1024x128xf32> to vector<1x1024x128xf32>
    tpu.vector_store %arg3[%swap3A_201, %swap3A_202, %swap3A_203], %swap3A_206 {strides = array<i32>} : memref<16x1024x128xf32, #tpu.memory_space<vmem>>, vector<1x1024x128xf32>,
    %add3A_207 = arith.constant 2176 : i32
    %add3A_208 = arith.addi %add3A_207, %get3A_0 : i32
    %add3A_209 = arith.constant 10 : i32
    %add3A_210 = arith.addi %mul3A_1, %add3A_209 : i32
    %sub3A_211 = arith.subi %add3A_208, %add3A_210 : i32
    %rem3A_212 = arith.constant 2 : i32
    %rem3A_213 = arith.remsi %sub3A_211, %rem3A_212 : i32
    %sub3A_214 = arith.subi %sub3A_211, %rem3A_213 : i32
    %div3A_215 = arith.constant 2 : i32
    %div3A_216 = arith.divsi %sub3A_214, %div3A_215 : i32
    %get3A_217 = arith.index_cast %rem3A_213 : i32 to index
    %get3A_218 = arith.index_cast %div3A_216 : i32 to index
    %get3A_219 = arith.constant 0 : index
    %get3A_220 = vector.load %arg2[%get3A_217, %get3A_218, %get3A_219] : memref<2x2304x128xf32, #tpu.memory_space<vmem>>, vector<1x1024x128xf32>
    %get3A_221 = vector.shape_cast %get3A_220 : vector<1x1024x128xf32> to vector<1024x128xf32>
    %swap3A_222 = arith.constant 10 : index
    %swap3A_223 = arith.constant 0 : index
    %swap3A_224 = arith.constant 0 : index
    %swap3A_225 = vector.load %arg3[%swap3A_222, %swap3A_223, %swap3A_224] : memref<16x1024x128xf32, #tpu.memory_space<vmem>>, vector<1x1024x128xf32>
    %swap3A_226 = vector.shape_cast %swap3A_225 : vector<1x1024x128xf32> to vector<1024x128xf32>
    %swap3A_227 = vector.shape_cast %get3A_221 : vector<1024x128xf32> to vector<1x1024x128xf32>
    tpu.vector_store %arg3[%swap3A_222, %swap3A_223, %swap3A_224], %swap3A_227 {strides = array<i32>} : memref<16x1024x128xf32, #tpu.memory_space<vmem>>, vector<1x1024x128xf32>,
    %add3A_228 = arith.constant 2176 : i32
    %add3A_229 = arith.addi %add3A_228, %get3A_0 : i32
    %add3A_230 = arith.constant 11 : i32
    %add3A_231 = arith.addi %mul3A_1, %add3A_230 : i32
    %sub3A_232 = arith.subi %add3A_229, %add3A_231 : i32
    %rem3A_233 = arith.constant 2 : i32
    %rem3A_234 = arith.remsi %sub3A_232, %rem3A_233 : i32
    %sub3A_235 = arith.subi %sub3A_232, %rem3A_234 : i32
    %div3A_236 = arith.constant 2 : i32
    %div3A_237 = arith.divsi %sub3A_235, %div3A_236 : i32
    %get3A_238 = arith.index_cast %rem3A_234 : i32 to index
    %get3A_239 = arith.index_cast %div3A_237 : i32 to index
    %get3A_240 = arith.constant 0 : index
    %get3A_241 = vector.load %arg2[%get3A_238, %get3A_239, %get3A_240] : memref<2x2304x128xf32, #tpu.memory_space<vmem>>, vector<1x1024x128xf32>
    %get3A_242 = vector.shape_cast %get3A_241 : vector<1x1024x128xf32> to vector<1024x128xf32>
    %swap3A_243 = arith.constant 11 : index
    %swap3A_244 = arith.constant 0 : index
    %swap3A_245 = arith.constant 0 : index
    %swap3A_246 = vector.load %arg3[%swap3A_243, %swap3A_244, %swap3A_245] : memref<16x1024x128xf32, #tpu.memory_space<vmem>>, vector<1x1024x128xf32>
    %swap3A_247 = vector.shape_cast %swap3A_246 : vector<1x1024x128xf32> to vector<1024x128xf32>
    %swap3A_248 = vector.shape_cast %get3A_242 : vector<1024x128xf32> to vector<1x1024x128xf32>
    tpu.vector_store %arg3[%swap3A_243, %swap3A_244, %swap3A_245], %swap3A_248 {strides = array<i32>} : memref<16x1024x128xf32, #tpu.memory_space<vmem>>, vector<1x1024x128xf32>,
    %add3A_249 = arith.constant 2176 : i32
    %add3A_250 = arith.addi %add3A_249, %get3A_0 : i32
    %add3A_251 = arith.constant 12 : i32
    %add3A_252 = arith.addi %mul3A_1, %add3A_251 : i32
    %sub3A_253 = arith.subi %add3A_250, %add3A_252 : i32
    %rem3A_254 = arith.constant 2 : i32
    %rem3A_255 = arith.remsi %sub3A_253, %rem3A_254 : i32
    %sub3A_256 = arith.subi %sub3A_253, %rem3A_255 : i32
    %div3A_257 = arith.constant 2 : i32
    %div3A_258 = arith.divsi %sub3A_256, %div3A_257 : i32
    %get3A_259 = arith.index_cast %rem3A_255 : i32 to index
    %get3A_260 = arith.index_cast %div3A_258 : i32 to index
    %get3A_261 = arith.constant 0 : index
    %get3A_262 = vector.load %arg2[%get3A_259, %get3A_260, %get3A_261] : memref<2x2304x128xf32, #tpu.memory_space<vmem>>, vector<1x1024x128xf32>
    %get3A_263 = vector.shape_cast %get3A_262 : vector<1x1024x128xf32> to vector<1024x128xf32>
    %swap3A_264 = arith.constant 12 : index
    %swap3A_265 = arith.constant 0 : index
    %swap3A_266 = arith.constant 0 : index
    %swap3A_267 = vector.load %arg3[%swap3A_264, %swap3A_265, %swap3A_266] : memref<16x1024x128xf32, #tpu.memory_space<vmem>>, vector<1x1024x128xf32>
    %swap3A_268 = vector.shape_cast %swap3A_267 : vector<1x1024x128xf32> to vector<1024x128xf32>
    %swap3A_269 = vector.shape_cast %get3A_263 : vector<1024x128xf32> to vector<1x1024x128xf32>
    tpu.vector_store %arg3[%swap3A_264, %swap3A_265, %swap3A_266], %swap3A_269 {strides = array<i32>} : memref<16x1024x128xf32, #tpu.memory_space<vmem>>, vector<1x1024x128xf32>,
    %add3A_270 = arith.constant 2176 : i32
    %add3A_271 = arith.addi %add3A_270, %get3A_0 : i32
    %add3A_272 = arith.constant 13 : i32
    %add3A_273 = arith.addi %mul3A_1, %add3A_272 : i32
    %sub3A_274 = arith.subi %add3A_271, %add3A_273 : i32
    %rem3A_275 = arith.constant 2 : i32
    %rem3A_276 = arith.remsi %sub3A_274, %rem3A_275 : i32
    %sub3A_277 = arith.subi %sub3A_274, %rem3A_276 : i32
    %div3A_278 = arith.constant 2 : i32
    %div3A_279 = arith.divsi %sub3A_277, %div3A_278 : i32
    %get3A_280 = arith.index_cast %rem3A_276 : i32 to index
    %get3A_281 = arith.index_cast %div3A_279 : i32 to index
    %get3A_282 = arith.constant 0 : index
    %get3A_283 = vector.load %arg2[%get3A_280, %get3A_281, %get3A_282] : memref<2x2304x128xf32, #tpu.memory_space<vmem>>, vector<1x1024x128xf32>
    %get3A_284 = vector.shape_cast %get3A_283 : vector<1x1024x128xf32> to vector<1024x128xf32>
    %swap3A_285 = arith.constant 13 : index
    %swap3A_286 = arith.constant 0 : index
    %swap3A_287 = arith.constant 0 : index
    %swap3A_288 = vector.load %arg3[%swap3A_285, %swap3A_286, %swap3A_287] : memref<16x1024x128xf32, #tpu.memory_space<vmem>>, vector<1x1024x128xf32>
    %swap3A_289 = vector.shape_cast %swap3A_288 : vector<1x1024x128xf32> to vector<1024x128xf32>
    %swap3A_290 = vector.shape_cast %get3A_284 : vector<1024x128xf32> to vector<1x1024x128xf32>
    tpu.vector_store %arg3[%swap3A_285, %swap3A_286, %swap3A_287], %swap3A_290 {strides = array<i32>} : memref<16x1024x128xf32, #tpu.memory_space<vmem>>, vector<1x1024x128xf32>,
    %add3A_291 = arith.constant 2176 : i32
    %add3A_292 = arith.addi %add3A_291, %get3A_0 : i32
    %add3A_293 = arith.constant 14 : i32
    %add3A_294 = arith.addi %mul3A_1, %add3A_293 : i32
    %sub3A_295 = arith.subi %add3A_292, %add3A_294 : i32
    %rem3A_296 = arith.constant 2 : i32
    %rem3A_297 = arith.remsi %sub3A_295, %rem3A_296 : i32
    %sub3A_298 = arith.subi %sub3A_295, %rem3A_297 : i32
    %div3A_299 = arith.constant 2 : i32
    %div3A_300 = arith.divsi %sub3A_298, %div3A_299 : i32
    %get3A_301 = arith.index_cast %rem3A_297 : i32 to index
    %get3A_302 = arith.index_cast %div3A_300 : i32 to index
    %get3A_303 = arith.constant 0 : index
    %get3A_304 = vector.load %arg2[%get3A_301, %get3A_302, %get3A_303] : memref<2x2304x128xf32, #tpu.memory_space<vmem>>, vector<1x1024x128xf32>
    %get3A_305 = vector.shape_cast %get3A_304 : vector<1x1024x128xf32> to vector<1024x128xf32>
    %swap3A_306 = arith.constant 14 : index
    %swap3A_307 = arith.constant 0 : index
    %swap3A_308 = arith.constant 0 : index
    %swap3A_309 = vector.load %arg3[%swap3A_306, %swap3A_307, %swap3A_308] : memref<16x1024x128xf32, #tpu.memory_space<vmem>>, vector<1x1024x128xf32>
    %swap3A_310 = vector.shape_cast %swap3A_309 : vector<1x1024x128xf32> to vector<1024x128xf32>
    %swap3A_311 = vector.shape_cast %get3A_305 : vector<1024x128xf32> to vector<1x1024x128xf32>
    tpu.vector_store %arg3[%swap3A_306, %swap3A_307, %swap3A_308], %swap3A_311 {strides = array<i32>} : memref<16x1024x128xf32, #tpu.memory_space<vmem>>, vector<1x1024x128xf32>,
    %add3A_312 = arith.constant 2176 : i32
    %add3A_313 = arith.addi %add3A_312, %get3A_0 : i32
    %add3A_314 = arith.constant 15 : i32
    %add3A_315 = arith.addi %mul3A_1, %add3A_314 : i32
    %sub3A_316 = arith.subi %add3A_313, %add3A_315 : i32
    %rem3A_317 = arith.constant 2 : i32
    %rem3A_318 = arith.remsi %sub3A_316, %rem3A_317 : i32
    %sub3A_319 = arith.subi %sub3A_316, %rem3A_318 : i32
    %div3A_320 = arith.constant 2 : i32
    %div3A_321 = arith.divsi %sub3A_319, %div3A_320 : i32
    %get3A_322 = arith.index_cast %rem3A_318 : i32 to index
    %get3A_323 = arith.index_cast %div3A_321 : i32 to index
    %get3A_324 = arith.constant 0 : index
    %get3A_325 = vector.load %arg2[%get3A_322, %get3A_323, %get3A_324] : memref<2x2304x128xf32, #tpu.memory_space<vmem>>, vector<1x1024x128xf32>
    %get3A_326 = vector.shape_cast %get3A_325 : vector<1x1024x128xf32> to vector<1024x128xf32>
    %swap3A_327 = arith.constant 15 : index
    %swap3A_328 = arith.constant 0 : index
    %swap3A_329 = arith.constant 0 : index
    %swap3A_330 = vector.load %arg3[%swap3A_327, %swap3A_328, %swap3A_329] : memref<16x1024x128xf32, #tpu.memory_space<vmem>>, vector<1x1024x128xf32>
    %swap3A_331 = vector.shape_cast %swap3A_330 : vector<1x1024x128xf32> to vector<1024x128xf32>
    %swap3A_332 = vector.shape_cast %get3A_326 : vector<1024x128xf32> to vector<1x1024x128xf32>
    tpu.vector_store %arg3[%swap3A_327, %swap3A_328, %swap3A_329], %swap3A_332 {strides = array<i32>} : memref<16x1024x128xf32, #tpu.memory_space<vmem>>, vector<1x1024x128xf32>,
    return
  }
  func.func @transform_0(%arg0: i32) -> i32 {
    %c0_i32 = arith.constant 0 : i32
    %c0_i32_0 = arith.constant 0 : i32
    return %c0_i32 : i32
  }
  func.func @transform_1(%arg0: i32) -> (i32, i32, i32) {
    %c0_i32 = arith.constant 0 : i32
    %c0_i32_0 = arith.constant 0 : i32
    %c0_i32_1 = arith.constant 0 : i32
    %c0_i32_2 = arith.constant 0 : i32
    return %c0_i32, %c0_i32_0, %c0_i32_1 : i32, i32, i32
  }
  func.func @transform_2(%arg0: i32) -> (i32, i32, i32) {
    %c0_i32 = arith.constant 0 : i32
    %c0_i32_0 = arith.constant 0 : i32
    %c0_i32_1 = arith.constant 0 : i32
    return %arg0, %c0_i32, %c0_i32_0 : i32, i32, i32
  }
}

</mosaic_0001>

<sc_bundles>
// kernel: kernel.4.cloned.1.call-start
scs
__scs_entry_jumppad:
0x0: {  	(pc) =	sbr.rel $0x88, $3  }
0x1: {  	(tag) =	ssettag $0x0;
	lr =	simm.s32 $0x1  }
0x2: {  	[smem:$0x3F9E] =	sst lr;
	_ =	strace $0xD0000000  }
0x3: {  	_ = 	snop  }
0x4: {  	_ = 	snop  }
0x5: {  	_ = 	snop  }
0x6: {  	_ = 	snop  }
0x7: {  	_ = 	snop  }
__scs_overlays_trampoline_lowered:
0x8: {  	[smem:$0x3FAD] =	sst s0  }
0x9: {  	[smem:$0x3FAE] =	sst s1  }
0xa: {  	[smem:$0x3FAF] =	sst s2  }
0xb: {  	[smem:$0x3FB0] =	sst s3  }
0xc: {  	[smem:$0x3FB1] =	sst s4  }
0xd: {  	[smem:$0x3FB2] =	sst s5  }
0xe: {  	[smem:$0x3FB3] =	sst s6  }
0xf: {  	[smem:$0x3FB4] =	sst s7  }
0x10: {  	[smem:$0x3FB5] =	sst s8  }
0x11: {  	[smem:$0x3FB6] =	sst s9;
	s0 =	simm.s32 @!p0 $0x0  }
0x12: {  	s1 =	sld [smem:$0x3F9C];
	s0 =	simm.s32 @p0 $0x1  }
0x13: {  	[smem:$0x3FB7] =	sst s0;
	s0 =	simm.s32 @!p1 $0x0  }
0x14: {  	s2 =	sld [smem:$0x3F9B];
	s0 =	simm.s32 @p1 $0x1  }
0x15: {  	[smem:$0x3FB8] =	sst s0;
	s0 =	simm.s32 @!p2 $0x0  }
0x16: {  	s3 =	sld [smem:$0x3FDB];
	s0 =	simm.s32 @p2 $0x1  }
0x17: {  	s4 =	simm.s32 $0x1BF5;
	[smem:$0x3FBA] =	sst s0  }
0x18: {  	s0 =	sld [smem:$0x3F9D];
	_ =	swait.ge [sflag:s4], $0x0  }
0x19: {  	s7 =	sld [smem:$0x3F9E]  }
0x1a: {  	s8 =	sadd.s32 $0xFFFFE003, lr  }
0x1b: {  	s9 =	sadd.s32 $0xFFFFFEF7, lr;
	s5 =	simm.s32 $0xFFFFFFFF;
	p2 =	slt.u32 s8, $0xFFFFF086  }
0x1c: {  	p1 =	slt.u32 s9, $0xF7A;
	s5 =	simm.s32 @!p2 $0x0  }
0x1d: {  	s5 =	simm.s32 @p1 $0x1;
	p0 =	seq.s32 s7, s2  }
0x1e: {  	s7 =	smul.u32 @!p0 $0xF7A, s2;
	p2 =	seq.s32 @!p0 s5, $0x0  }
0x1f: {  	s9 =	smul.u32 $0xF7A, s1;
	s8 =	simm.s32 @!p0 $0x1BF5;
	p2 =	por !p2, p0  }
0x20: {  	[sflag:s8] =	ssyncset.s32 @!p0 $0xFFFFF086;
	s6 =	sadd.s32 @!p0 s3, s7;
	s7 =	simm.s32 @!p0 $0x108  }
0x21: {  	s3 =	sadd.s32 s3, s9;
	s6 =	sadd.s32 @!p0 $0x88, s6;
	s7 =	simm.s32 @p2 $0x1082  }
0x22: {  	[simem:s7], [sflag:s8] =	dma.local @!p0 [hbm:s6], $0xF7A  }
0x23: {  	s9 =	sor.u32 $0xD0000000, s2;
	s6 =	simm.s32 $0x108;
	_ =	swait.ge @!p0 [sflag:s8], $0x0  }
0x24: {  	s3 =	sadd.s32 $0x88, s3;
	s6 =	simm.s32 @!p1 $0x1082;
	[sflag:s4] =	ssyncset.s32 $0xFFFFF086  }
0x25: {  	[simem:s6], [sflag:s4] =	dma.local [hbm:s3], $0xF7A  }
0x26: {  	[smem:$0x3F9E] =	sst s1;
	(tag) =	ssettag s2;
	_ =	strace s9  }
0x27: {  	s1 =	sld [smem:$0x3FAE]  }
0x28: {  	s2 =	sld [smem:$0x3FAF]  }
0x29: {  	s4 =	sld [smem:$0x3FB1]  }
0x2a: {  	p0 =	seq.s32 s5, $0x0;
	s5 =	sld [smem:$0x3FB2]  }
0x2b: {  	s6 =	sld [smem:$0x3FB3]  }
0x2c: {  	s7 =	sld [smem:$0x3FB4]  }
0x2d: {  	s3 =	simm.s32 $0x108;
	s8 =	sld [smem:$0x3FB5]  }
0x2e: {  	s3 =	simm.s32 @!p0 $0x1082;
	s9 =	sld [smem:$0x3FB6]  }
0x2f: {  	lr =	sadd.s32 s0, s3;
	s0 =	sld [smem:$0x3FAD]  }
0x30: {  	s3 =	sld [smem:$0x3FB0]  }
0x31: {  	[smem:$0x3FB9] =	sst s10  }
0x32: {  	s10 =	sld [smem:$0x3FB7];
	_ =	sdelay $0x3  }
0x33: {  	p0 =	seq.s32 s10, $0x1;
	s10 =	sld [smem:$0x3FB9];
	_ =	sdelay $0x3  }
0x34: {  	[smem:$0x3FB9] =	sst s10  }
0x35: {  	s10 =	sld [smem:$0x3FB8];
	_ =	sdelay $0x3  }
0x36: {  	p1 =	seq.s32 s10, $0x1;
	s10 =	sld [smem:$0x3FB9];
	_ =	sdelay $0x3  }
0x37: {  	[smem:$0x3FB9] =	sst s10  }
0x38: {  	s10 =	sld [smem:$0x3FBA]  }
0x39: {  	_ = 	snop;
	(pc) =	sbr.ind lr, $3  }
0x3a: {  	_ = 	snop  }
0x3b: {  	_ = 	snop  }
0x3c: {  	p2 =	seq.s32 s10, $0x1;
	s10 =	sld [smem:$0x3FB9]  }
0x3d: {  	_ =	shalt  }
0x3e: {  	_ =	shalt  }
0x3f: {  	_ =	shalt  }
0x40: {  	_ =	shalt  }
0x41: {  	_ =	shalt  }
0x42: {  	_ =	shalt  }
0x43: {  	_ =	shalt  }
0x44: {  	_ =	shalt  }
0x45: {  	_ =	shalt  }
0x46: {  	_ =	shalt  }
0x47: {  	_ =	shalt  }
0x48: {  	_ =	shalt  }
0x49: {  	_ =	shalt  }
0x4a: {  	_ =	shalt  }
0x4b: {  	_ =	shalt  }
0x4c: {  	_ =	shalt  }
0x4d: {  	_ =	shalt  }
0x4e: {  	_ =	shalt  }
0x4f: {  	_ =	shalt  }
0x50: {  	_ =	shalt  }
0x51: {  	_ =	shalt  }
0x52: {  	_ =	shalt  }
0x53: {  	_ =	shalt  }
0x54: {  	_ =	shalt  }
0x55: {  	_ =	shalt  }
0x56: {  	_ =	shalt  }
0x57: {  	_ =	shalt  }
0x58: {  	_ =	shalt  }
0x59: {  	_ =	shalt  }
0x5a: {  	_ =	shalt  }
0x5b: {  	_ =	shalt  }
0x5c: {  	_ =	shalt  }
0x5d: {  	_ =	shalt  }
0x5e: {  	_ =	shalt  }
0x5f: {  	_ =	shalt  }
0x60: {  	_ =	shalt  }
0x61: {  	_ =	shalt  }
0x62: {  	_ =	shalt  }
0x63: {  	_ =	shalt  }
0x64: {  	_ =	shalt  }
0x65: {  	_ =	shalt  }
0x66: {  	_ =	shalt  }
0x67: {  	_ =	shalt  }
0x68: {  	_ =	shalt  }
0x69: {  	_ =	shalt  }
0x6a: {  	_ =	shalt  }
0x6b: {  	_ =	shalt  }
0x6c: {  	_ =	shalt  }
0x6d: {  	_ =	shalt  }
0x6e: {  	_ =	shalt  }
0x6f: {  	_ =	shalt  }
0x70: {  	_ =	shalt  }
0x71: {  	_ =	shalt  }
0x72: {  	_ =	shalt  }
0x73: {  	_ =	shalt  }
0x74: {  	_ =	shalt  }
0x75: {  	_ =	shalt  }
0x76: {  	_ =	shalt  }
0x77: {  	_ =	shalt  }
0x78: {  	_ =	shalt  }
0x79: {  	_ =	shalt  }
0x7a: {  	_ =	shalt  }
0x7b: {  	_ =	shalt  }
0x7c: {  	_ =	shalt  }
0x7d: {  	_ =	shalt  }
0x7e: {  	_ =	shalt  }
0x7f: {  	_ =	shalt  }
0x80: {  	_ =	shalt  }
0x81: {  	_ =	shalt  }
0x82: {  	_ =	shalt  }
0x83: {  	_ =	shalt  }
0x84: {  	_ =	shalt  }
0x85: {  	_ =	shalt  }
0x86: {  	_ =	shalt  }
0x87: {  	_ =	shalt  }
.Lfunc_end0:
.L_simem_size_0:
called_computation.1_lowered:
.L_overlay_start_0:
0x88: {  	s2 =	sld [smem:$0x3FD9]  }
0x89: {  	s3 =	sld [smem:$0x3FFE];
	_ =	sdelay $0x1  }
0x8a: {  	s1 =	srdreg.scid  }
0x8b: {  	s0 =	sand.u32 $0x1, s1  }
0x8c: {  	s17 =	sshll.u32 s0, $0xA;
	s2 =	sadd.s32 s3, s2  }
0x8d: {  	s2 =	sadd.s32 s2, s17  }
0x8e: {  	[smem:$0x3FC5] =	sst s2  }
0x8f: {  	_ = 	snop  }
0x90: {  	s2 =	sld [smem:$0x3FD0];
	(tm) =	ssettm $0x1  }
0x91: {  	s18 =	sld [smem:$0x3FFB];
	_ =	sdelay $0x3  }
0x92: {  	_ =	strace s18  }
0x93: {  	s3 =	sld [smem:$0x3FFC];
	_ =	sdelay $0x3  }
0x94: {  	_ =	strace s3  }
0x95: {  	s3 =	sld [smem:$0x3FFD];
	_ =	sdelay $0x3  }
0x96: {  	_ =	strace s3  }
0x97: {  	_ =	strace $0x8FFFFFFF  }
0x98: {  	s19 =	sld [smem:$0x3FDB];
	_ =	sdelay $0x1  }
0x99: {  	s4 =	simm.s32 $_scs_section_size  }
0x9a: {  	s5 =	simm.s32 $_size__tile_overlayer_lowered;
	s6 =	simm.s32 $_tile_overlayer_lowered  }
0x9b: {  	s22 =	simm.s32 $0x1BFF;
	s21 =	sshll.u32 s6, $0x1;
	s3 =	sadd.s32 s4, s19  }
0x9c: {  	s7 =	simm.s32 $0x0;
	s20 =	sshll.u32 s5, $0x1;
	s5 =	sadd.s32 s21, s3  }
0x9d: {  	[timem:s7], [sflag:s22] =	dma.local [hbm:s5], s20  }
0x9e: {  	_ =	swait.ge [sflag:s22], s20  }
0x9f: {  	s4 =	ssub.s32 $0x0, s20;
	[sflag:s22] =	ssyncset.done $0x0  }
0xa0: {  	[sflag:s22] =	ssyncadd.s32 s4;
	_ =	sdelay $0x1  }
0xa1: {  	s23 =	simm.s32 $0x1B8B  }
0xa2: {  	_ =	swait.ge [sflag:s23], $0x1  }
0xa3: {  	[sflag:s23] =	ssyncset.done $0x0  }
0xa4: {  	s25 =	simm.s32 $0x1B8E;
	s24 =	sld [smem:$0x3FFE];
	[sflag:s23] =	ssyncadd.s32 $0xFFFFFFFF  }
0xa5: {  	s26 =	simm.s32 $execute0_lowered;
	[smem:$0x3FD2] =	sst s25  }
0xa6: {  	s5 =	sshll.u32 s26, $0x1;
	_ =	strace $0x80000046;
	[dreg:$0x1] =	wrdreg $0xFFFFFFFF  }
0xa7: {  	s28 =	simm.s32 $_size_execute0_lowered;
	s3 =	sadd.s32 s3, s5;
	[dreg:$0x0] =	wrdreg $0x0  }
0xa8: {  	s5 =	sshll.u32 s28, $0x1;
	[dreg:$0x2] =	wrdreg s3  }
0xa9: {  	[dreg:$0x3] =	wrdreg s5  }
0xaa: {  	[dreg:$0x4] =	wrdreg $0xC0  }
0xab: {  	_ =	task [dreg:s7], $0x5FFFF  }
0xac: {  	[dreg:$0x1] =	wrdreg $0xFFFFFFFF  }
0xad: {  	[dreg:$0x0] =	wrdreg $0x60  }
0xae: {  	[dreg:$0x2] =	wrdreg s24  }
0xaf: {  	[dreg:$0x3] =	wrdreg s2  }
0xb0: {  	[dreg:$0x4] =	wrdreg $0x9  }
0xb1: {  	_ =	task.clear_ibuf [dreg:s7], $0x5FFFF;
	_ =	strace $0x90000046  }
0xb2: {  	s29 =	simm.s32 $0x9;
	_ =	strace $0x80000048  }
0xb3: {  	_ =	swait.ge [sflag:s29], $0x1  }
0xb4: {  	[sflag:s29] =	ssyncadd.s32 $0xFFFFFFFF  }
0xb5: {  	_ =	strace $0x90000048  }
0xb6: {  	_ =	sfence  }
0xb7: {  	s30 =	sld [smem:$0x0];
	_ =	sdelay $0x2  }
0xb8: {  	s31 =	sshll.u32 s1, $0xD;
	s1 =	sshrl.u32 s1, $0x2  }
0xb9: {  	s3 =	sand.u32 $0x4000, s31;
	s1 =	sadd.s32 s1, s30  }
0xba: {  	s0 =	sor.u32 s3, s0;
	s1 =	sshll.u32 s1, $0x11  }
0xbb: {  	s0 =	sor.u32 s1, s0  }
0xbc: {  	s0 =	sadd.s32 $0x8F2B, s0  }
0xbd: {  	[sflag:s0] =	ssyncadd.remote.s32 $0x1  }
0xbe: {  	_ =	sfence.sel $0xFFFF  }
0xbf: {  	[dreg:$0x0] =	wrdreg $0xFFFFFFFF;
	(pc) =	sbr.abs _section_cstart, $3  }
0xc0: {  	[dreg:$0x1] =	wrdreg $0xFFFFFFFF  }
0xc1: {  	_ =	task.clear_ibuf [dreg:s7], $0x2FFFF;
	_ =	strace $0x9FFFFFFF  }
0xc2: {  	(tm) =	ssettm $0x7FFFFFFF  }
0xc3: {  	_ =	shalt  }
tec
execute0_lowered:
.L_overlay_start_1:
0x0: {  	(tag) =	ssettag $0x1  }
0x1: {  	s0 =	stileid.u32  }
0x2: {  	v0 =	vlaneseq.u32;
	s3 =	smul.u32 $0x90, s0  }
0x3: {  	v4 =	vadd.s32 $0xFFFFFC01, v0  }
0x4: {  	v0 =	vadd.s32 s3, v4;
	s1 =	sadd.s32 $0x20, s3  }
0x5: {  	s25 =	sadd.s32 $0x30, s3;
	s6 =	sadd.s32 $0x40, s3;
	s26 =	sadd.s32 $0x10, s3;
	vm0 =	vgt.s32 v0, $0x0;
	v1 =	vadd.s32 s1, v4  }
0x6: {  	s28 =	sadd.s32 $0x80, s3;
	s7 =	sadd.s32 $0x50, s3;
	s8 =	sadd.s32 $0x70, s3;
	v2 =	vadd.s32 s25, v4;
	v3 =	vadd.s32 s6, v4;
	v7 =	vadd.s32 s26, v4  }
0x7: {  	s4 =	rddreg [dreg:$0x0];
	s3 =	sadd.s32 $0x60, s3;
	v5 =	vadd.s32 s28, v4;
	v6 =	vadd.s32 s7, v4;
	v8 =	vadd.s32 s8, v4  }
0x8: {  	s5 =	rddreg [dreg:$0x1];
	s2 =	simm.s32 $0x0;
	v9 =	vadd.s32 s3, v4;
	v0 =	vnsel vm0, $0x0, v0;
	vm8 =	vgt.s32 v1, $0x0  }
0x9: {  	[smem:$0x7FF] =	sst s2;
	vm9 =	vgt.s32 v2, $0x0;
	v1 =	vnsel vm8, $0x0, v1;
	v0 =	vmin.u32 v0, $0x81  }
0xa: {  	s1 =	rddreg [dreg:$0x2];
	_ =	strace $0x80000047;
	vm10 =	vgt.s32 v3, $0x0;
	v2 =	vnsel vm9, $0x0, v2;
	v1 =	vmin.u32 v1, $0x81;
	[tilespmem:$0x0] =	vst v0  }
0xb: {  	vm11 =	vgt.s32 v5, $0x0;
	v3 =	vnsel vm10, $0x0, v3;
	v2 =	vmin.u32 v2, $0x81;
	[tilespmem:$0x20] =	vst v1  }
0xc: {  	vm12 =	vgt.s32 v8, $0x0;
	v4 =	vnsel vm11, $0x0, v5;
	v3 =	vmin.u32 v3, $0x81;
	[tilespmem:$0x30] =	vst v2  }
0xd: {  	vm13 =	vgt.s32 v9, $0x0;
	v5 =	vnsel vm12, $0x0, v8;
	v4 =	vmin.u32 v4, $0x81;
	[tilespmem:$0x40] =	vst v3  }
0xe: {  	s29 =	srdreg.scid;
	vm14 =	vgt.s32 v6, $0x0;
	v8 =	vnsel vm13, $0x0, v9;
	v5 =	vmin.u32 v5, $0x81;
	[tilespmem:$0x80] =	vst v4  }
0xf: {  	s10 =	sand.u32 $0x1, s29;
	vm15 =	vgt.s32 v7, $0x0;
	v9 =	vnsel vm14, $0x0, v6;
	v6 =	vmin.u32 v8, $0x81;
	[tilespmem:$0x70] =	vst v5  }
0x10: {  	p0 =	seq.s32 s10, $0x1;
	s3 =	simm.s32 $0x800;
	v8 =	vnsel vm15, $0x0, v7;
	v7 =	vmin.u32 v9, $0x81;
	[tilespmem:$0x60] =	vst v6  }
0x11: {  	s9 =	simm.s32 $0x1;
	s11 =	smul.u32 $0x48000, s10;
	s3 =	simm.s32 @!p0 $0x1200;
	v8 =	vmin.u32 v8, $0x81;
	[tilespmem:$0x50] =	vst v7  }
0x12: {  	s6 =	simm.s32 $0x100;
	s3 =	sadd.s32 s3, s4;
	s4 =	simm.s32 $0x80;
	[tilespmem:$0x10] =	vst v8  }
0x13: {  	[tilespmem:s6], [sflag:$0x1] =	stream.indirect.gather [hbm4b:s3+s4], $0x80, s2, s4, $0xb8;
	[tilespmem:$0x4900] =	vst v63  }
0x14: {  	s10 =	ssub.s32 $0x2, s10;
	s7 =	simm.s32 $0x10;
	s8 =	simm.s32 $0x4100  }
0x15: {  	[tilespmem:s8], [sflag:$0x1] =	stream.indirect.gather [hbm4b:s3+s7], $0x80, s4, s7, $0xb8;
	[tilespmem:$0x4900] =	vst v63  }
0x16: {  	s30 =	sshrl.u32 s10, $0x1;
	_ =	swait.ge [sflag:s9], $0x4000  }
0x17: {  	s12 =	smul.u32 $0x4800, s0;
	s10 =	ssub.s32 s10, s30;
	[sflag:s9] =	ssyncset.done $0x0  }
0x18: {  	s31 =	smax.u32 s10, $0x1;
	[sflag:s9] =	ssyncadd.s32 $0xFFFFC000  }
0x19: {  	s11 =	sadd.s32 s12, s11;
	p0 =	sne.s32 s31, $0x1;
	_ =	swait.ge [sflag:s9], $0x800  }
.Ltmp0:
0x1a: {  	s11 =	sshrl.u32 s11, $0x3;
	[sflag:s9] =	ssyncset.done $0x0;
	(pc) =	sbr.rel @!p0 .LBB2_2-.Ltmp0, $4  }
0x1b: {  	s10 =	simm.s32 $0x2;
	s5 =	sadd.s32 s5, s11;
	[sflag:s9] =	ssyncadd.s32 $0xFFFFF800  }
0x1c: {  	[hbm4b:s5+s2] =	stream.linear.scatter [tilespmem:s6], [sflag:$0x2], $0x4800, $0x38;
	[tilespmem:$0x4900] =	vst v63  }
0x1d: {  	_ =	swait.ge [sflag:s10], $0x4800  }
0x1e: {  	s11 =	sadd.s32 $0xFFFFFFFF, s31;
	[sflag:s10] =	ssyncset.done $0x0  }
.LBB2_1:
0x1f: {  	p0 =	sne.s32 s11, $0x1;
	s11 =	sadd.s32 $0xFFFFFFFF, s11;
	[sflag:s10] =	ssyncadd.s32 $0xFFFFB800  }
0x20: {  	[tilespmem:$0x20] =	vst v1  }
0x21: {  	[tilespmem:$0x30] =	vst v2  }
0x22: {  	[tilespmem:$0x40] =	vst v3  }
0x23: {  	[tilespmem:$0x0] =	vst v0  }
0x24: {  	[tilespmem:$0x80] =	vst v4  }
0x25: {  	[tilespmem:$0x70] =	vst v5  }
0x26: {  	[tilespmem:$0x60] =	vst v6  }
0x27: {  	[tilespmem:$0x50] =	vst v7  }
0x28: {  	[tilespmem:$0x10] =	vst v8  }
0x29: {  	[tilespmem:s6], [sflag:$0x1] =	stream.indirect.gather [hbm4b:s3+s4], $0x80, s2, s4, $0xb8;
	[tilespmem:$0x4900] =	vst v63  }
0x2a: {  	_ = 	snop  }
0x2b: {  	[tilespmem:s8], [sflag:$0x1] =	stream.indirect.gather [hbm4b:s3+s7], $0x80, s4, s7, $0xb8;
	[tilespmem:$0x4900] =	vst v63  }
0x2c: {  	_ =	swait.ge [sflag:s9], $0x4000  }
0x2d: {  	[sflag:s9] =	ssyncset.done $0x0  }
0x2e: {  	[sflag:s9] =	ssyncadd.s32 $0xFFFFC000  }
0x2f: {  	_ =	swait.ge [sflag:s9], $0x800  }
.Ltmp1:
0x30: {  	[sflag:s9] =	ssyncset.done $0x0;
	(pc) =	sbr.rel @p0 .LBB2_1-.Ltmp1, $4  }
0x31: {  	[sflag:s9] =	ssyncadd.s32 $0xFFFFF800  }
0x32: {  	[hbm4b:s5+s2] =	stream.linear.scatter [tilespmem:s6], [sflag:$0x2], $0x4800, $0x38;
	[tilespmem:$0x4900] =	vst v63  }
0x33: {  	_ =	swait.ge [sflag:s10], $0x4800  }
0x34: {  	[sflag:s10] =	ssyncset.done $0x0  }
.LBB2_2:
0x35: {  	[sflag:s10] =	ssyncadd.s32 $0xFFFFB800  }
0x36: {  	_ =	sfence.sel $0x180000  }
0x37: {  	[bflag:$0x0] =	sbarrier.arrive $0xFFFF  }
0x38: {  	p0 =	sne.s32 s0, $0x0;
	_ =	strace $0x90000047  }
0x39: {  	s0 =	sadd.s32 @!p0 $0x100000, s1;
	[bflag:$0x2] =	sbarrier.arrive $0xFFFF  }
0x3a: {  	[sflag:s0] =	ssyncadd.tile.s32 @!p0 $0x1;
	_ =	shalt  }
.Lfunc_end2:
_tile_overlayer_lowered:
.L_overlay_start_2:
0x3b: {  	(tag) =	ssettag $0x2  }
0x3c: {  	s0 =	rddreg [dreg:$0x0];
	s2 =	stileid.u32  }
0x3d: {  	s1 =	rddreg [dreg:$0x1];
	p0 =	sne.s32 s2, $0x0  }
0x3e: {  	s3 =	rddreg [dreg:$0x2];
	[bflag:$0x3] =	sbarrier.arrive $0xFFFF;
	s2 =	simm.s32 @!p0 $0x1C02  }
0x3f: {  	[timem:s3], [sflag:s2] =	dma.local @!p0 [hbm:s0], s1  }
0x40: {  	s0 =	simm.s32 @!p0 $0x2  }
0x41: {  	_ =	swait.ge @!p0 [sflag:s0], s1  }
0x42: {  	s1 =	ssub.s32 @!p0 $0x0, s1;
	[sflag:s0] =	ssyncset.done @!p0 $0x0  }
0x43: {  	[sflag:s0] =	ssyncadd.s32 @!p0 s1  }
0x44: {  	[bflag:$0x3] =	sbarrier.arrive $0xFFFF  }
0x45: {  	_ =	shalt  }

// kernel: sparse-core-data-format-call.cloned.1.call-start
scs
called_computation_lowered:
.L_overlay_start_0:
0x0: {  	s2 =	sld [smem:$0x3FD9]  }
0x1: {  	s3 =	sld [smem:$0x3FFE];
	_ =	sdelay $0x1  }
0x2: {  	s1 =	srdreg.scid  }
0x3: {  	s0 =	sand.u32 $0x1, s1  }
0x4: {  	s18 =	sshll.u32 s0, $0xA;
	s2 =	sadd.s32 s3, s2  }
0x5: {  	s2 =	sadd.s32 s2, s18  }
0x6: {  	[smem:$0x3FC5] =	sst s2  }
0x7: {  	_ = 	snop  }
0x8: {  	s2 =	sld [smem:$0x3FD0];
	(tm) =	ssettm $0x1  }
0x9: {  	s19 =	sld [smem:$0x3FFB];
	_ =	sdelay $0x3  }
0xa: {  	_ =	strace s19  }
0xb: {  	s3 =	sld [smem:$0x3FFC];
	_ =	sdelay $0x3  }
0xc: {  	_ =	strace s3  }
0xd: {  	s3 =	sld [smem:$0x3FFD];
	_ =	sdelay $0x3  }
0xe: {  	_ =	strace s3  }
0xf: {  	_ =	strace $0x8FFFFFFF  }
0x10: {  	s20 =	sld [smem:$0x3FDB];
	_ =	sdelay $0x1  }
0x11: {  	s4 =	simm.s32 $_scs_section_size  }
0x12: {  	s5 =	simm.s32 $_size__tile_overlayer_lowered;
	s6 =	simm.s32 $_tile_overlayer_lowered  }
0x13: {  	s23 =	simm.s32 $0x1BFF;
	s22 =	sshll.u32 s6, $0x1;
	s3 =	sadd.s32 s4, s20  }
0x14: {  	s7 =	simm.s32 $0x0;
	s21 =	sshll.u32 s5, $0x1;
	s5 =	sadd.s32 s22, s3  }
0x15: {  	[timem:s7], [sflag:s23] =	dma.local [hbm:s5], s21  }
0x16: {  	_ =	swait.ge [sflag:s23], s21  }
0x17: {  	s4 =	ssub.s32 $0x0, s21;
	[sflag:s23] =	ssyncset.done $0x0  }
0x18: {  	[sflag:s23] =	ssyncadd.s32 s4;
	_ =	sdelay $0x1  }
0x19: {  	s24 =	simm.s32 $0x1B8B  }
0x1a: {  	_ =	swait.ge [sflag:s24], $0x1  }
0x1b: {  	[sflag:s24] =	ssyncset.done $0x0  }
0x1c: {  	s26 =	simm.s32 $0x1B8E;
	s25 =	sld [smem:$0x3FFE];
	[sflag:s24] =	ssyncadd.s32 $0xFFFFFFFF  }
0x1d: {  	s27 =	simm.s32 $execute0_lowered;
	[smem:$0x3FD2] =	sst s26  }
0x1e: {  	s5 =	sshll.u32 s27, $0x1;
	_ =	strace $0x80000049;
	[dreg:$0x1] =	wrdreg $0xFFFFFFFF  }
0x1f: {  	s28 =	simm.s32 $_size_execute0_lowered;
	s3 =	sadd.s32 s3, s5;
	[dreg:$0x0] =	wrdreg $0x0  }
0x20: {  	s5 =	sshll.u32 s28, $0x1;
	[dreg:$0x2] =	wrdreg s3  }
0x21: {  	[dreg:$0x3] =	wrdreg s5  }
0x22: {  	[dreg:$0x4] =	wrdreg $0xC0  }
0x23: {  	_ =	task [dreg:s7], $0x5FFFF  }
0x24: {  	[dreg:$0x1] =	wrdreg $0xFFFFFFFF  }
0x25: {  	[dreg:$0x0] =	wrdreg $0x60  }
0x26: {  	[dreg:$0x2] =	wrdreg s25  }
0x27: {  	[dreg:$0x3] =	wrdreg s2  }
0x28: {  	[dreg:$0x4] =	wrdreg $0x9  }
0x29: {  	_ =	task.clear_ibuf [dreg:s7], $0x5FFFF;
	_ =	strace $0x90000049  }
0x2a: {  	s29 =	simm.s32 $0x9;
	_ =	strace $0x8000004B  }
0x2b: {  	_ =	swait.ge [sflag:s29], $0x1  }
0x2c: {  	[sflag:s29] =	ssyncadd.s32 $0xFFFFFFFF  }
0x2d: {  	_ =	strace $0x9000004B  }
0x2e: {  	_ =	sfence  }
0x2f: {  	s30 =	sld [smem:$0x0];
	_ =	sdelay $0x2  }
0x30: {  	s31 =	sshll.u32 s1, $0xD;
	s1 =	sshrl.u32 s1, $0x2  }
0x31: {  	s3 =	sand.u32 $0x4000, s31;
	s1 =	sadd.s32 s1, s30  }
0x32: {  	s0 =	sor.u32 s3, s0;
	s1 =	sshll.u32 s1, $0x11  }
0x33: {  	s0 =	sor.u32 s1, s0  }
0x34: {  	s0 =	sadd.s32 $0x8F2B, s0  }
0x35: {  	[sflag:s0] =	ssyncadd.remote.s32 $0x1  }
0x36: {  	_ =	sfence.sel $0xFFFF  }
0x37: {  	[dreg:$0x0] =	wrdreg $0xFFFFFFFF;
	(pc) =	sbr.abs _section_cstart, $3  }
0x38: {  	[dreg:$0x1] =	wrdreg $0xFFFFFFFF  }
0x39: {  	_ =	task.clear_ibuf [dreg:s7], $0x2FFFF;
	_ =	strace $0x9FFFFFFF  }
0x3a: {  	(tm) =	ssettm $0x7FFFFFFF  }
0x3b: {  	_ =	shalt  }
tec
execute0_lowered:
.L_overlay_start_1:
0x0: {  	(tag) =	ssettag $0x1  }
0x1: {  	s0 =	stileid.u32  }
0x2: {  	s2 =	srdreg.scid;
	s5 =	rddreg [dreg:$0x0]  }
0x3: {  	s6 =	simm.s32 $0x1;
	s31 =	simm.s32 $0x2;
	s14 =	simm.s32 $0x0  }
0x4: {  	s9 =	simm.s32 $0x20000;
	s16 =	simm.s32 $0x0;
	s1 =	sshll.u32 s0, $0x7  }
0x5: {  	s15 =	simm.s32 $0x0;
	s10 =	simm.s32 $0x0;
	s3 =	ssub.s32 $0x800, s1  }
0x6: {  	s13 =	simm.s32 $0x0;
	s2 =	sand.u32 $0x1, s2;
	s4 =	sand.u32 $0x780, s3  }
0x7: {  	s5 =	sadd.s32 $0x800, s5;
	s7 =	ssub.s32 $0x40, s2;
	p0 =	sne.s32 s4, $0x0  }
0x8: {  	s3 =	sshrl.u32 s3, $0xB;
	s8 =	sshrl.u32 s7, $0x1;
	s6 =	simm.s32 @!p0 $0x0  }
.Ltmp0:
0x9: {  	s7 =	ssub.s32 s7, s8;
	s6 =	sadd.s32 s6, s3;
	(pc) =	sbr.rel .LBB1_1-.Ltmp0, $4  }
0xa: {  	s11 =	smov.u32 s2;
	s4 =	rddreg [dreg:$0x1];
	s7 =	smul.u32 s6, s7  }
0xb: {  	s3 =	rddreg [dreg:$0x2];
	_ =	strace $0x8000004A;
	s6 =	simm.s32 $0x1  }
0xc: {  	s12 =	smov.u32 s1;
	[sflag:s6] =	ssyncpa.u1 $0x0;
	s7 =	sshll.u32 s7, $0x4  }
0xd: {  	p0 =	por $0x0, $0x0;
	[sflag:s31] =	ssyncpa.u1 $0x0;
	s8 =	sor.u32 $0x1, s7  }
.LBB1_4:
0xe: {  	v5 =	vld [tilespmem:s19+$0xFFFFFFD0];
	[tilespmem:s20+$0x2040 ss:$0x81] =	vst.msk $0xffff, v1  }
0xf: {  	v58 =	vld [tilespmem:s19+$0xFFFFFFE0];
	[tilespmem:s20+$0x2850 ss:$0x81] =	vst.msk $0xffff, v2  }
0x10: {  	s21 =	sshra.s32 s21, $0x2;
	v59 =	vld [tilespmem:s19+$0xFFFFFFF0];
	[tilespmem:s20+$0x3060 ss:$0x81] =	vst.msk $0xffff, v3  }
0x11: {  	v60 =	vld [tilespmem:s19+$0x0];
	[tilespmem:s20+$0x0 ss:$0x81] =	vst.msk $0xffff, v0;
	s18 =	sadd.s32 s21, s18  }
0x12: {  	v61 =	vld [tilespmem:s19+$0x10];
	s26 =	sshll.u32 s16, $0xB;
	[tilespmem:s18+$0x3870 ss:$0x81] =	vst.msk $0xffff, v4  }
0x13: {  	v62 =	vld [tilespmem:s19+$0x20];
	s27 =	sand.u32 $0x78, s15;
	s22 =	sshll.u32 s15, $0x3;
	s29 =	sshll.u32 s16, $0x7;
	[tilespmem:s18+$0x810 ss:$0x81] =	vst.msk $0xffff, v5  }
0x14: {  	v63 =	vld [tilespmem:s19+$0xFFFFFFC0];
	s14 =	sshll.u32 s14, $0xE;
	s20 =	sand.u32 $0x1C000, s26;
	s28 =	sand.u32 $0x1FC00, s22;
	[tilespmem:s18+$0x1020 ss:$0x81] =	vst.msk $0xffff, v58  }
0x15: {  	s31 =	sand.u32 $0x7, s15;
	s22 =	sand.u32 $0x400, s22;
	s19 =	sadd.s32 s28, s20;
	[tilespmem:s18+$0x1830 ss:$0x81] =	vst.msk $0xffff, v59  }
0x16: {  	s16 =	sand.u32 $0x380, s29;
	s30 =	sor.u32 s27, s22;
	s19 =	sshrl.u32 s19, $0x3;
	[tilespmem:s18+$0x2040 ss:$0x81] =	vst.msk $0xffff, v60  }
0x17: {  	s14 =	sadd.s32 s4, s14;
	s16 =	sor.u32 s16, s30;
	s19 =	sand.u32 $0x3F00, s19;
	[tilespmem:s18+$0x2850 ss:$0x81] =	vst.msk $0xffff, v61  }
0x18: {  	s15 =	sshll.u32 s31, $0x12;
	s16 =	sshrl.u32 s16, $0x3;
	[tilespmem:s18+$0x3060 ss:$0x81] =	vst.msk $0xffff, v62;
	s14 =	sadd.s32 s19, s14  }
0x19: {  	s15 =	sor.u32 $0x80, s15;
	[tilespmem:s18+$0x0 ss:$0x81] =	vst.msk $0xffff, v63;
	s14 =	sadd.s32 s16, s14  }
0x1a: {  	[hbm4b:s14+s15] =	stream.strided.scatter [tilespmem:s17], [sflag:$0x2], $0x4000, s9, s15, $0x20;
	[tilespmem:$0x10100] =	vst v63  }
.LBB1_5:
0x1b: {  	s17 =	sadd.s32 $0x80, s10  }
0x1c: {  	s14 =	sadd.s32 $0x2, s11;
	s18 =	smov.u32 s11;
	p2 =	sgt.s32 s17, $0x7FF  }
0x1d: {  	s18 =	smov.u32 @p2 s14  }
0x1e: {  	s20 =	smov.u32 s12;
	s14 =	sadd.s32 $0x800, s12;
	p3 =	sgt.s32 s18, $0x3F  }
0x1f: {  	s20 =	smov.u32 @p3 s14  }
0x20: {  	s17 =	simm.s32 @p2 $0x0;
	p2 =	sgt.s32 s20, $0x7FF  }
0x21: {  	p1 =	slt.u32 s13, $0x2;
	s20 =	smov.u32 @p2 s1;
	p2 =	sne.s32 s13, s8  }
.Ltmp1:
0x22: {  	s19 =	simm.s32 @!p1 $0x2;
	(pc) =	sbr.rel @!p2 .LBB1_6-.Ltmp1, $4  }
0x23: {  	s16 =	smov.u32 s11;
	s15 =	smov.u32 s12;
	_ =	swait.ge @!p1 [sflag:s19], $0x4000  }
0x24: {  	p0 =	por !p0, !p0;
	[sflag:s19] =	ssyncset.done @!p1 $0x0;
	s18 =	smov.u32 @p3 s2  }
0x25: {  	s14 =	smov.u32 s10;
	[sflag:s19] =	ssyncadd.s32 @!p1 $0xFFFFC000;
	s10 =	smov.u32 s17  }
0x26: {  	s11 =	smov.u32 s18;
	s13 =	sadd.s32 $0x1, s13;
	s12 =	smov.u32 s20  }
.LBB1_1:
0x27: {  	p1 =	sge.u32 s13, s7;
	s31 =	sadd.s32 $0xFFFFFFFF, s13  }
0x28: {  	s17 =	sxor.u32 @!p1 $0xFFFFFFFF, s13;
	s18 =	sand.u32 @!p1 $0x78, s10;
	s19 =	sshll.u32 @!p1 s11, $0xB  }
0x29: {  	s20 =	sshll.u32 @!p1 s11, $0x7;
	s21 =	sshll.u32 @!p1 s10, $0x3;
	s17 =	sshll.u32 @!p1 s17, $0xE  }
0x2a: {  	s19 =	sand.u32 @!p1 $0x1C000, s19;
	s20 =	sand.u32 @!p1 $0x380, s20;
	s17 =	sand.u32 @!p1 $0x4000, s17  }
0x2b: {  	s19 =	sadd.s32 @!p1 s19, s21;
	s21 =	sand.u32 @!p1 $0x400, s21;
	s18 =	sor.u32 @!p1 s20, s18  }
0x2c: {  	s20 =	sshll.u32 @!p1 s12, $0xE;
	s18 =	sor.u32 @!p1 s21, s18;
	s19 =	sshrl.u32 @!p1 s19, $0x3  }
0x2d: {  	s20 =	sadd.s32 @!p1 s5, s20;
	s21 =	sand.u32 @!p1 $0x7, s10;
	s19 =	sand.u32 @!p1 $0x3F00, s19  }
0x2e: {  	s18 =	sshrl.u32 @!p1 s18, $0x3;
	s19 =	sadd.s32 @!p1 s19, s20;
	s20 =	sshll.u32 @!p1 s21, $0x12  }
0x2f: {  	s18 =	sadd.s32 @!p1 s18, s19;
	s19 =	sor.u32 @!p1 $0x80, s20;
	s20 =	simm.s32 @!p1 $0x20000  }
0x30: {  	[tilespmem:s17], [sflag:$0x1] =	stream.strided.gather @!p1 [hbm4b:s18+s19], $0x4000, s20, s19, $0x38;
	[tilespmem:$0x10100] =	vst v63  }
0x31: {  	p1 =	sge.u32 s31, s7  }
.Ltmp2:
0x32: {  	_ = 	snop;
	(pc) =	sbr.rel @p1 .LBB1_5-.Ltmp2, $1  }
0x33: {  	_ =	sdelay $0x3  }
0x34: {  	s17 =	simm.s32 $0x1  }
0x35: {  	_ =	swait.ge [sflag:s6], $0x4000;
	s17 =	simm.s32 @!p0 $0x0  }
0x36: {  	[sflag:s6] =	ssyncset.done $0x0;
	s18 =	sshll.u32 s17, $0xE  }
0x37: {  	[sflag:s6] =	ssyncadd.s32 $0xFFFFC000;
	s19 =	sor.u32 $0x40, s18  }
0x38: {  	s17 =	smul.u32 $0x10200, s17;
	v0 =	vld [tilespmem:s19+$0x30]  }
0x39: {  	v3 =	vld [tilespmem:s19+$0xFFFFFFD0]  }
0x3a: {  	s17 =	sshrl.u32 s17, $0x2;
	v4 =	vld [tilespmem:s19+$0xFFFFFFE0]  }
0x3b: {  	v5 =	vld [tilespmem:s19+$0xFFFFFFF0];
	s18 =	sor.u32 $0x8000, s17  }
0x3c: {  	s31 =	sand.u32 $0x1, s13;
	v1 =	vld [tilespmem:s19+$0x0];
	s20 =	sadd.s32 $0x0, s18  }
0x3d: {  	v2 =	vld [tilespmem:s19+$0x10];
	s17 =	smul.u32 $0x10200, s31;
	[tilespmem:s20+$0x3870 ss:$0x81] =	vst.msk $0xffff, v0  }
0x3e: {  	[tilespmem:s20+$0x810 ss:$0x81] =	vst.msk $0xffff, v3;
	v3 =	vld [tilespmem:s19+$0x20]  }
0x3f: {  	s17 =	sshrl.u32 s17, $0x2;
	v0 =	vld [tilespmem:s19+$0xFFFFFFC0];
	[tilespmem:s20+$0x1020 ss:$0x81] =	vst.msk $0xffff, v4;
	s19 =	sadd.s32 $0x80, s19  }
0x40: {  	s21 =	simm.s32 $0x4;
	s22 =	simm.s32 $0x8;
	s17 =	sor.u32 $0x8000, s17;
	[tilespmem:s20+$0x1830 ss:$0x81] =	vst.msk $0xffff, v5;
	v4 =	vld [tilespmem:s19+$0x30]  }
.LBB1_3:
0x41: {  	p1 =	sne.s32 s22, $0x1FC;
	v5 =	vld [tilespmem:s19+$0xFFFFFFD0];
	[tilespmem:s20+$0x2040 ss:$0x81] =	vst.msk $0xffff, v1  }
0x42: {  	v6 =	vld [tilespmem:s19+$0xFFFFFFE0];
	[tilespmem:s20+$0x2850 ss:$0x81] =	vst.msk $0xffff, v2  }
0x43: {  	s23 =	sshra.s32 s21, $0x2;
	s21 =	smov.u32 s22;
	v7 =	vld [tilespmem:s19+$0xFFFFFFF0];
	[tilespmem:s20+$0x3060 ss:$0x81] =	vst.msk $0xffff, v3  }
.Ltmp3:
0x44: {  	v1 =	vld [tilespmem:s19+$0x0];
	[tilespmem:s20+$0x0 ss:$0x81] =	vst.msk $0xffff, v0;
	s20 =	sadd.s32 s23, s18;
	(pc) =	sbr.rel @p1 .LBB1_3-.Ltmp3, $4  }
0x45: {  	v2 =	vld [tilespmem:s19+$0x10];
	[tilespmem:s20+$0x3870 ss:$0x81] =	vst.msk $0xffff, v4  }
0x46: {  	[tilespmem:s20+$0x810 ss:$0x81] =	vst.msk $0xffff, v5;
	v3 =	vld [tilespmem:s19+$0x20]  }
0x47: {  	v0 =	vld [tilespmem:s19+$0xFFFFFFC0];
	[tilespmem:s20+$0x1020 ss:$0x81] =	vst.msk $0xffff, v6;
	s19 =	sadd.s32 $0x80, s19  }
0x48: {  	s22 =	sadd.s32 $0x4, s22;
	v4 =	vld [tilespmem:s19+$0x30];
	[tilespmem:s20+$0x1830 ss:$0x81] =	vst.msk $0xffff, v7  }
.Ltmp4:
0x49: {  	_ = 	snop;
	(pc) =	sbr.rel .LBB1_4-.Ltmp4, $1  }
0x4a: {  	_ =	sdelay $0x3  }
.LBB1_6:
0x4b: {  	_ =	sfence.sel $0x180000  }
0x4c: {  	s1 =	simm.s32 $0x1;
	[bflag:$0x0] =	sbarrier.arrive $0xFFFF  }
0x4d: {  	s31 =	simm.s32 $0x2;
	[sflag:s1] =	ssyncpa.u1 $0x1  }
0x4e: {  	[sflag:s31] =	ssyncpa.u1 $0x1  }
0x4f: {  	p0 =	sne.s32 s0, $0x0;
	_ =	strace $0x9000004A  }
0x50: {  	s0 =	sadd.s32 @!p0 $0x100000, s3;
	[bflag:$0x2] =	sbarrier.arrive $0xFFFF  }
0x51: {  	[sflag:s0] =	ssyncadd.tile.s32 @!p0 $0x1;
	_ =	shalt  }
.Lfunc_end1:
_tile_overlayer_lowered:
.L_overlay_start_2:
0x52: {  	(tag) =	ssettag $0x2  }
0x53: {  	s0 =	rddreg [dreg:$0x0];
	s2 =	stileid.u32  }
0x54: {  	s1 =	rddreg [dreg:$0x1];
	p0 =	sne.s32 s2, $0x0  }
0x55: {  	s3 =	rddreg [dreg:$0x2];
	[bflag:$0x3] =	sbarrier.arrive $0xFFFF;
	s2 =	simm.s32 @!p0 $0x1C01  }
0x56: {  	[timem:s3], [sflag:s2] =	dma.local @!p0 [hbm:s0], s1  }
0x57: {  	s0 =	simm.s32 @!p0 $0x1  }
0x58: {  	_ =	swait.ge @!p0 [sflag:s0], s1  }
0x59: {  	s1 =	ssub.s32 @!p0 $0x0, s1;
	[sflag:s0] =	ssyncset.done @!p0 $0x0  }
0x5a: {  	[sflag:s0] =	ssyncadd.s32 @!p0 s1  }
0x5b: {  	[bflag:$0x3] =	sbarrier.arrive $0xFFFF  }
0x5c: {  	_ =	shalt  }

</sc_bundles>
